<compile_context>
chip_gen: v7x
topology: tpu7x:2x2x1
jax: 0.10.2.dev20260603
libtpu: 0.0.44.dev20260713+nightly
codegen_flags: <defaults>
</compile_context>

<pallas_src>
import functools

import jax
import jax.numpy as jnp
from jax import lax
from jax.experimental import pallas as pl
from jax.experimental.pallas import tpu as pltpu
from jax.experimental.pallas import tpu_sc as plsc

_CHUNK = 128


@functools.lru_cache(maxsize=None)
def _build_gather(B: int, Wt: int):
    info = plsc.get_sparse_core_info()
    NC, NS, L = info.num_cores, info.num_subcores, info.num_lanes
    NW = NC * NS
    bpw = B // NW
    nch = bpw // _CHUNK
    assert B % (NW * L) == 0 and bpw % _CHUNK == 0
    row_tile_words = 8 * Wt
    col_tile_words = 8 * 128
    mesh = plsc.VectorSubcoreMesh(core_axis_name="c", subcore_axis_name="s")

    @functools.partial(
        pl.kernel,
        mesh=mesh,
        out_type=jax.ShapeDtypeStruct((B,), jnp.float32),
        scratch_types=[
            pltpu.VMEM((2, bpw), jnp.int32),
            pltpu.VMEM((nch, _CHUNK), jnp.int32),
            pltpu.VMEM((bpw,), jnp.float32),
            pltpu.SemaphoreType.DMA,
        ],
    )
    def body(obs_hbm, table_hbm, out_hbm, pairs_v, idx_v, val_v, sem):
        wid = lax.axis_index("s") * NC + lax.axis_index("c")
        base = wid * bpw
        pltpu.sync_copy(obs_hbm.at[:, pl.ds(base, bpw)], pairs_v)
        per_chunk = _CHUNK // L
        copies = []
        for j in range(nch):
            for k in range(per_chunk):
                i = j * per_chunk + k
                r = pairs_v[0, pl.ds(i * L, L)]
                c = pairs_v[1, pl.ds(i * L, L)]
                phys = (
                    lax.shift_right_logical(r, 3) * row_tile_words
                    + lax.shift_right_logical(c, 7) * col_tile_words
                    + lax.shift_left(lax.bitwise_and(r, jnp.int32(7)), 7)
                    + lax.bitwise_and(c, jnp.int32(127))
                )
                idx_v[j, pl.ds(k * L, L)] = phys
            copies.append(pltpu.async_copy(
                table_hbm.at[idx_v.at[j]],
                val_v.at[pl.ds(j * _CHUNK, _CHUNK)],
                sem,
            ))
        for cp in copies:
            cp.wait()
        pltpu.sync_copy(val_v, out_hbm.at[pl.ds(base, bpw)])

    return body


def kernel(obs, acs, cost_matrix):
    del acs
    B = obs.shape[0]
    H, W = cost_matrix.shape
    obs_t = obs.astype(jnp.int32).T
    wp = -W % 128
    hp = -H % 8
    padded = jnp.pad(cost_matrix, ((0, hp), (0, wp)))
    Ht, Wt = H + hp, W + wp
    phys = (
        padded.reshape(Ht // 8, 8, Wt // 128, 128)
        .transpose(0, 2, 1, 3)
        .reshape(Ht * Wt)
    )
    return _build_gather(B, Wt)(obs_t, phys)

# --- scband reference (transcript-rebuilt; emitter-appended) ---
"""Pipeline reference for scband-constraint-matrix-81587198754930 (READ-ONLY COPY).

The authoritative reference and input builder live on the scoring server;
editing this copy changes nothing except your own understanding.
"""

import jax, jax.numpy as jnp
import numpy as np

MAP_H = 1000
MAP_W = 1000
BATCH = 16384
ACS_DIM = 4

def setup_inputs(seed: int = 0) -> dict:
    key = jax.random.key(seed)
    k1, k2, k3 = jax.random.split(key, 3)
    # obs holds integer grid coordinates (row, col) into the cost matrix
    obs = jax.random.randint(k1, (BATCH, 2), 0, MAP_H)
    acs = jax.random.normal(k2, (BATCH, ACS_DIM), dtype=jnp.float32)
    # cost_matrix is the learned/stored table (original inits to zeros; use
    # random values so the gather output is non-trivial)
    cost_matrix = jax.random.uniform(k3, (MAP_H, MAP_W), dtype=jnp.float32)
    return {"obs": obs, "acs": acs, "cost_matrix": cost_matrix}

def reference(obs, acs, cost_matrix):
    # Faithful translation of ConstraintMatrix.cost_function:
    #   cost[i] = cost_matrix[int(obs[i,0]), int(obs[i,1])]
    # acs is accepted but unused, exactly as in the original module.
    rows = obs[:, 0]
    cols = obs[:, 1]
    cost = cost_matrix[rows, cols]
    return cost

if __name__ == "__main__":
    import jax
    _d = setup_inputs()
    print(jax.jit(kernel)(*tuple(_d.values())))

</pallas_src>

<mosaic_0001>
#map = affine_map<(d0, d1) -> (0, 0)>
#map1 = affine_map<(d0, d1) -> (0)>
module attributes {stable_mosaic.version = 14 : i64} {
  func.func @body(%arg0: i32, %arg1: i32, %arg2: memref<2x16384xi32, #tpu.memory_space<hbm>>, %arg3: memref<1024000xf32, #tpu.memory_space<hbm>>, %arg4: memref<16384xf32, #tpu.memory_space<hbm>>, %arg5: memref<2x512xi32, #tpu.memory_space<vmem>>, %arg6: memref<4x128xi32, #tpu.memory_space<vmem>>, %arg7: memref<512xf32, #tpu.memory_space<vmem>>, %arg8: memref<!tpu.dma_semaphore, #tpu.memory_space<semaphore_mem>>) attributes {dimension_semantics = [#tpu.dimension_semantics<core_parallel>, #tpu.dimension_semantics<subcore_parallel>], iteration_bounds = array<i64: 2, 16>, scalar_prefetch = 0 : i64, scratch_operands = 4 : i64, tpu.core_type = #tpu.core_type<sc_vector_subcore>, window_params = [{transform_indices = #map}, {transform_indices = #map1}, {transform_indices = #map1}]} {
    %mul3A = arith.constant 2 : i32
    %mul3A_0 = arith.muli %arg1, %mul3A : i32
    %add3A = arith.addi %mul3A_0, %arg0 : i32
    %mul3A_1 = arith.constant 512 : i32
    %mul3A_2 = arith.muli %add3A, %mul3A_1 : i32
    "tpu.region"() ({
      %run_scoped3A = tpu.sem_alloc : memref<!tpu.dma_semaphore, #tpu.memory_space<semaphore_mem>>
      %dma_start3A_1340 = arith.constant 0 : i32
      %dma_start3A_1341 = tpu.memref_slice %arg2[%dma_start3A_1340, %mul3A_2] : memref<2x16384xi32, #tpu.memory_space<hbm>> -> memref<2x512xi32, #tpu.memory_space<hbm>>
      %dma_start3A_1342 = arith.constant 0 : i32
      %dma_start3A_1343 = tpu.memref_slice %arg2[%dma_start3A_1342, %mul3A_2] : memref<2x16384xi32, #tpu.memory_space<hbm>> -> memref<2x512xi32, #tpu.memory_space<hbm>>
      tpu.enqueue_dma source(%dma_start3A_1343 : memref<2x512xi32, #tpu.memory_space<hbm>>) target(%arg5 : memref<2x512xi32, #tpu.memory_space<vmem>>) target_semaphore(%run_scoped3A : memref<!tpu.dma_semaphore, #tpu.memory_space<semaphore_mem>>)
      %dma_wait3A_1344 = arith.constant 0 : i32
      %dma_wait3A_1345 = tpu.memref_slice %arg2[%dma_wait3A_1344, %mul3A_2] : memref<2x16384xi32, #tpu.memory_space<hbm>> -> memref<2x512xi32, #tpu.memory_space<hbm>>
      %dma_wait3A_1346 = arith.constant 0 : i32
      %dma_wait3A_1347 = tpu.memref_slice %arg2[%dma_wait3A_1346, %mul3A_2] : memref<2x16384xi32, #tpu.memory_space<hbm>> -> memref<2x512xi32, #tpu.memory_space<hbm>>
      tpu.wait_dma2 semaphore(%run_scoped3A : memref<!tpu.dma_semaphore, #tpu.memory_space<semaphore_mem>>) src(%dma_wait3A_1347 : memref<2x512xi32, #tpu.memory_space<hbm>>) dst(%arg5 : memref<2x512xi32, #tpu.memory_space<vmem>>)
      tpu.yield
    }) : () -> ()
    %get3A = arith.constant 0 : i32
    %get3A_3 = arith.index_cast %get3A : i32 to index
    %get3A_4 = arith.constant 0 : index
    %get3A_5 = tpu.vector_load %arg5[%get3A_3, %get3A_4] {strides = array<i32>} : memref<2x512xi32, #tpu.memory_space<vmem>>, vector<1x16xi32>,
    %get3A_6 = vector.shape_cast %get3A_5 : vector<1x16xi32> to vector<16xi32>
    %get3A_7 = arith.constant 1 : i32
    %get3A_8 = arith.index_cast %get3A_7 : i32 to index
    %get3A_9 = arith.constant 0 : index
    %get3A_10 = tpu.vector_load %arg5[%get3A_8, %get3A_9] {strides = array<i32>} : memref<2x512xi32, #tpu.memory_space<vmem>>, vector<1x16xi32>,
    %get3A_11 = vector.shape_cast %get3A_10 : vector<1x16xi32> to vector<16xi32>
    %shift_right_logical3A = arith.constant 3 : i32
    %shift_right_logical3A_12 = vector.broadcast %shift_right_logical3A : i32 to vector<16xi32>
    %shift_right_logical3A_13 = arith.shrui %get3A_6, %shift_right_logical3A_12 : vector<16xi32>
    %mul3A_14 = arith.constant 8192 : i32
    %mul3A_15 = vector.broadcast %mul3A_14 : i32 to vector<16xi32>
    %mul3A_16 = arith.muli %shift_right_logical3A_13, %mul3A_15 : vector<16xi32>
    %shift_right_logical3A_17 = arith.constant 7 : i32
    %shift_right_logical3A_18 = vector.broadcast %shift_right_logical3A_17 : i32 to vector<16xi32>
    %shift_right_logical3A_19 = arith.shrui %get3A_11, %shift_right_logical3A_18 : vector<16xi32>
    %mul3A_20 = arith.constant 1024 : i32
    %mul3A_21 = vector.broadcast %mul3A_20 : i32 to vector<16xi32>
    %mul3A_22 = arith.muli %shift_right_logical3A_19, %mul3A_21 : vector<16xi32>
    %add3A_23 = arith.addi %mul3A_16, %mul3A_22 : vector<16xi32>
    %and3A = arith.constant 7 : i32
    %and3A_24 = vector.broadcast %and3A : i32 to vector<16xi32>
    %and3A_25 = arith.andi %get3A_6, %and3A_24 : vector<16xi32>
    %shift_left3A = arith.constant 7 : i32
    %shift_left3A_26 = vector.broadcast %shift_left3A : i32 to vector<16xi32>
    %shift_left3A_27 = arith.shli %and3A_25, %shift_left3A_26 : vector<16xi32>
    %add3A_28 = arith.addi %add3A_23, %shift_left3A_27 : vector<16xi32>
    %and3A_29 = arith.constant 127 : i32
    %and3A_30 = vector.broadcast %and3A_29 : i32 to vector<16xi32>
    %and3A_31 = arith.andi %get3A_11, %and3A_30 : vector<16xi32>
    %add3A_32 = arith.addi %add3A_28, %and3A_31 : vector<16xi32>
    %swap3A = arith.constant 0 : i32
    %swap3A_33 = arith.index_cast %swap3A : i32 to index
    %swap3A_34 = arith.constant 0 : index
    %swap3A_35 = tpu.vector_load %arg6[%swap3A_33, %swap3A_34] {strides = array<i32>} : memref<4x128xi32, #tpu.memory_space<vmem>>, vector<1x16xi32>,
    %swap3A_36 = vector.shape_cast %swap3A_35 : vector<1x16xi32> to vector<16xi32>
    %swap3A_37 = vector.shape_cast %add3A_32 : vector<16xi32> to vector<1x16xi32>
    tpu.vector_store %arg6[%swap3A_33, %swap3A_34], %swap3A_37 {strides = array<i32>} : memref<4x128xi32, #tpu.memory_space<vmem>>, vector<1x16xi32>,
    %get3A_38 = arith.constant 0 : i32
    %get3A_39 = arith.index_cast %get3A_38 : i32 to index
    %get3A_40 = arith.constant 16 : index
    %get3A_41 = tpu.vector_load %arg5[%get3A_39, %get3A_40] {strides = array<i32>} : memref<2x512xi32, #tpu.memory_space<vmem>>, vector<1x16xi32>,
    %get3A_42 = vector.shape_cast %get3A_41 : vector<1x16xi32> to vector<16xi32>
    %get3A_43 = arith.constant 1 : i32
    %get3A_44 = arith.index_cast %get3A_43 : i32 to index
    %get3A_45 = arith.constant 16 : index
    %get3A_46 = tpu.vector_load %arg5[%get3A_44, %get3A_45] {strides = array<i32>} : memref<2x512xi32, #tpu.memory_space<vmem>>, vector<1x16xi32>,
    %get3A_47 = vector.shape_cast %get3A_46 : vector<1x16xi32> to vector<16xi32>
    %shift_right_logical3A_48 = arith.constant 3 : i32
    %shift_right_logical3A_49 = vector.broadcast %shift_right_logical3A_48 : i32 to vector<16xi32>
    %shift_right_logical3A_50 = arith.shrui %get3A_42, %shift_right_logical3A_49 : vector<16xi32>
    %mul3A_51 = arith.constant 8192 : i32
    %mul3A_52 = vector.broadcast %mul3A_51 : i32 to vector<16xi32>
    %mul3A_53 = arith.muli %shift_right_logical3A_50, %mul3A_52 : vector<16xi32>
    %shift_right_logical3A_54 = arith.constant 7 : i32
    %shift_right_logical3A_55 = vector.broadcast %shift_right_logical3A_54 : i32 to vector<16xi32>
    %shift_right_logical3A_56 = arith.shrui %get3A_47, %shift_right_logical3A_55 : vector<16xi32>
    %mul3A_57 = arith.constant 1024 : i32
    %mul3A_58 = vector.broadcast %mul3A_57 : i32 to vector<16xi32>
    %mul3A_59 = arith.muli %shift_right_logical3A_56, %mul3A_58 : vector<16xi32>
    %add3A_60 = arith.addi %mul3A_53, %mul3A_59 : vector<16xi32>
    %and3A_61 = arith.constant 7 : i32
    %and3A_62 = vector.broadcast %and3A_61 : i32 to vector<16xi32>
    %and3A_63 = arith.andi %get3A_42, %and3A_62 : vector<16xi32>
    %shift_left3A_64 = arith.constant 7 : i32
    %shift_left3A_65 = vector.broadcast %shift_left3A_64 : i32 to vector<16xi32>
    %shift_left3A_66 = arith.shli %and3A_63, %shift_left3A_65 : vector<16xi32>
    %add3A_67 = arith.addi %add3A_60, %shift_left3A_66 : vector<16xi32>
    %and3A_68 = arith.constant 127 : i32
    %and3A_69 = vector.broadcast %and3A_68 : i32 to vector<16xi32>
    %and3A_70 = arith.andi %get3A_47, %and3A_69 : vector<16xi32>
    %add3A_71 = arith.addi %add3A_67, %and3A_70 : vector<16xi32>
    %swap3A_72 = arith.constant 0 : i32
    %swap3A_73 = arith.index_cast %swap3A_72 : i32 to index
    %swap3A_74 = arith.constant 16 : index
    %swap3A_75 = tpu.vector_load %arg6[%swap3A_73, %swap3A_74] {strides = array<i32>} : memref<4x128xi32, #tpu.memory_space<vmem>>, vector<1x16xi32>,
    %swap3A_76 = vector.shape_cast %swap3A_75 : vector<1x16xi32> to vector<16xi32>
    %swap3A_77 = vector.shape_cast %add3A_71 : vector<16xi32> to vector<1x16xi32>
    tpu.vector_store %arg6[%swap3A_73, %swap3A_74], %swap3A_77 {strides = array<i32>} : memref<4x128xi32, #tpu.memory_space<vmem>>, vector<1x16xi32>,
    %get3A_78 = arith.constant 0 : i32
    %get3A_79 = arith.index_cast %get3A_78 : i32 to index
    %get3A_80 = arith.constant 32 : index
    %get3A_81 = tpu.vector_load %arg5[%get3A_79, %get3A_80] {strides = array<i32>} : memref<2x512xi32, #tpu.memory_space<vmem>>, vector<1x16xi32>,
    %get3A_82 = vector.shape_cast %get3A_81 : vector<1x16xi32> to vector<16xi32>
    %get3A_83 = arith.constant 1 : i32
    %get3A_84 = arith.index_cast %get3A_83 : i32 to index
    %get3A_85 = arith.constant 32 : index
    %get3A_86 = tpu.vector_load %arg5[%get3A_84, %get3A_85] {strides = array<i32>} : memref<2x512xi32, #tpu.memory_space<vmem>>, vector<1x16xi32>,
    %get3A_87 = vector.shape_cast %get3A_86 : vector<1x16xi32> to vector<16xi32>
    %shift_right_logical3A_88 = arith.constant 3 : i32
    %shift_right_logical3A_89 = vector.broadcast %shift_right_logical3A_88 : i32 to vector<16xi32>
    %shift_right_logical3A_90 = arith.shrui %get3A_82, %shift_right_logical3A_89 : vector<16xi32>
    %mul3A_91 = arith.constant 8192 : i32
    %mul3A_92 = vector.broadcast %mul3A_91 : i32 to vector<16xi32>
    %mul3A_93 = arith.muli %shift_right_logical3A_90, %mul3A_92 : vector<16xi32>
    %shift_right_logical3A_94 = arith.constant 7 : i32
    %shift_right_logical3A_95 = vector.broadcast %shift_right_logical3A_94 : i32 to vector<16xi32>
    %shift_right_logical3A_96 = arith.shrui %get3A_87, %shift_right_logical3A_95 : vector<16xi32>
    %mul3A_97 = arith.constant 1024 : i32
    %mul3A_98 = vector.broadcast %mul3A_97 : i32 to vector<16xi32>
    %mul3A_99 = arith.muli %shift_right_logical3A_96, %mul3A_98 : vector<16xi32>
    %add3A_100 = arith.addi %mul3A_93, %mul3A_99 : vector<16xi32>
    %and3A_101 = arith.constant 7 : i32
    %and3A_102 = vector.broadcast %and3A_101 : i32 to vector<16xi32>
    %and3A_103 = arith.andi %get3A_82, %and3A_102 : vector<16xi32>
    %shift_left3A_104 = arith.constant 7 : i32
    %shift_left3A_105 = vector.broadcast %shift_left3A_104 : i32 to vector<16xi32>
    %shift_left3A_106 = arith.shli %and3A_103, %shift_left3A_105 : vector<16xi32>
    %add3A_107 = arith.addi %add3A_100, %shift_left3A_106 : vector<16xi32>
    %and3A_108 = arith.constant 127 : i32
    %and3A_109 = vector.broadcast %and3A_108 : i32 to vector<16xi32>
    %and3A_110 = arith.andi %get3A_87, %and3A_109 : vector<16xi32>
    %add3A_111 = arith.addi %add3A_107, %and3A_110 : vector<16xi32>
    %swap3A_112 = arith.constant 0 : i32
    %swap3A_113 = arith.index_cast %swap3A_112 : i32 to index
    %swap3A_114 = arith.constant 32 : index
    %swap3A_115 = tpu.vector_load %arg6[%swap3A_113, %swap3A_114] {strides = array<i32>} : memref<4x128xi32, #tpu.memory_space<vmem>>, vector<1x16xi32>,
    %swap3A_116 = vector.shape_cast %swap3A_115 : vector<1x16xi32> to vector<16xi32>
    %swap3A_117 = vector.shape_cast %add3A_111 : vector<16xi32> to vector<1x16xi32>
    tpu.vector_store %arg6[%swap3A_113, %swap3A_114], %swap3A_117 {strides = array<i32>} : memref<4x128xi32, #tpu.memory_space<vmem>>, vector<1x16xi32>,
    %get3A_118 = arith.constant 0 : i32
    %get3A_119 = arith.index_cast %get3A_118 : i32 to index
    %get3A_120 = arith.constant 48 : index
    %get3A_121 = tpu.vector_load %arg5[%get3A_119, %get3A_120] {strides = array<i32>} : memref<2x512xi32, #tpu.memory_space<vmem>>, vector<1x16xi32>,
    %get3A_122 = vector.shape_cast %get3A_121 : vector<1x16xi32> to vector<16xi32>
    %get3A_123 = arith.constant 1 : i32
    %get3A_124 = arith.index_cast %get3A_123 : i32 to index
    %get3A_125 = arith.constant 48 : index
    %get3A_126 = tpu.vector_load %arg5[%get3A_124, %get3A_125] {strides = array<i32>} : memref<2x512xi32, #tpu.memory_space<vmem>>, vector<1x16xi32>,
    %get3A_127 = vector.shape_cast %get3A_126 : vector<1x16xi32> to vector<16xi32>
    %shift_right_logical3A_128 = arith.constant 3 : i32
    %shift_right_logical3A_129 = vector.broadcast %shift_right_logical3A_128 : i32 to vector<16xi32>
    %shift_right_logical3A_130 = arith.shrui %get3A_122, %shift_right_logical3A_129 : vector<16xi32>
    %mul3A_131 = arith.constant 8192 : i32
    %mul3A_132 = vector.broadcast %mul3A_131 : i32 to vector<16xi32>
    %mul3A_133 = arith.muli %shift_right_logical3A_130, %mul3A_132 : vector<16xi32>
    %shift_right_logical3A_134 = arith.constant 7 : i32
    %shift_right_logical3A_135 = vector.broadcast %shift_right_logical3A_134 : i32 to vector<16xi32>
    %shift_right_logical3A_136 = arith.shrui %get3A_127, %shift_right_logical3A_135 : vector<16xi32>
    %mul3A_137 = arith.constant 1024 : i32
    %mul3A_138 = vector.broadcast %mul3A_137 : i32 to vector<16xi32>
    %mul3A_139 = arith.muli %shift_right_logical3A_136, %mul3A_138 : vector<16xi32>
    %add3A_140 = arith.addi %mul3A_133, %mul3A_139 : vector<16xi32>
    %and3A_141 = arith.constant 7 : i32
    %and3A_142 = vector.broadcast %and3A_141 : i32 to vector<16xi32>
    %and3A_143 = arith.andi %get3A_122, %and3A_142 : vector<16xi32>
    %shift_left3A_144 = arith.constant 7 : i32
    %shift_left3A_145 = vector.broadcast %shift_left3A_144 : i32 to vector<16xi32>
    %shift_left3A_146 = arith.shli %and3A_143, %shift_left3A_145 : vector<16xi32>
    %add3A_147 = arith.addi %add3A_140, %shift_left3A_146 : vector<16xi32>
    %and3A_148 = arith.constant 127 : i32
    %and3A_149 = vector.broadcast %and3A_148 : i32 to vector<16xi32>
    %and3A_150 = arith.andi %get3A_127, %and3A_149 : vector<16xi32>
    %add3A_151 = arith.addi %add3A_147, %and3A_150 : vector<16xi32>
    %swap3A_152 = arith.constant 0 : i32
    %swap3A_153 = arith.index_cast %swap3A_152 : i32 to index
    %swap3A_154 = arith.constant 48 : index
    %swap3A_155 = tpu.vector_load %arg6[%swap3A_153, %swap3A_154] {strides = array<i32>} : memref<4x128xi32, #tpu.memory_space<vmem>>, vector<1x16xi32>,
    %swap3A_156 = vector.shape_cast %swap3A_155 : vector<1x16xi32> to vector<16xi32>
    %swap3A_157 = vector.shape_cast %add3A_151 : vector<16xi32> to vector<1x16xi32>
    tpu.vector_store %arg6[%swap3A_153, %swap3A_154], %swap3A_157 {strides = array<i32>} : memref<4x128xi32, #tpu.memory_space<vmem>>, vector<1x16xi32>,
    %get3A_158 = arith.constant 0 : i32
    %get3A_159 = arith.index_cast %get3A_158 : i32 to index
    %get3A_160 = arith.constant 64 : index
    %get3A_161 = tpu.vector_load %arg5[%get3A_159, %get3A_160] {strides = array<i32>} : memref<2x512xi32, #tpu.memory_space<vmem>>, vector<1x16xi32>,
    %get3A_162 = vector.shape_cast %get3A_161 : vector<1x16xi32> to vector<16xi32>
    %get3A_163 = arith.constant 1 : i32
    %get3A_164 = arith.index_cast %get3A_163 : i32 to index
    %get3A_165 = arith.constant 64 : index
    %get3A_166 = tpu.vector_load %arg5[%get3A_164, %get3A_165] {strides = array<i32>} : memref<2x512xi32, #tpu.memory_space<vmem>>, vector<1x16xi32>,
    %get3A_167 = vector.shape_cast %get3A_166 : vector<1x16xi32> to vector<16xi32>
    %shift_right_logical3A_168 = arith.constant 3 : i32
    %shift_right_logical3A_169 = vector.broadcast %shift_right_logical3A_168 : i32 to vector<16xi32>
    %shift_right_logical3A_170 = arith.shrui %get3A_162, %shift_right_logical3A_169 : vector<16xi32>
    %mul3A_171 = arith.constant 8192 : i32
    %mul3A_172 = vector.broadcast %mul3A_171 : i32 to vector<16xi32>
    %mul3A_173 = arith.muli %shift_right_logical3A_170, %mul3A_172 : vector<16xi32>
    %shift_right_logical3A_174 = arith.constant 7 : i32
    %shift_right_logical3A_175 = vector.broadcast %shift_right_logical3A_174 : i32 to vector<16xi32>
    %shift_right_logical3A_176 = arith.shrui %get3A_167, %shift_right_logical3A_175 : vector<16xi32>
    %mul3A_177 = arith.constant 1024 : i32
    %mul3A_178 = vector.broadcast %mul3A_177 : i32 to vector<16xi32>
    %mul3A_179 = arith.muli %shift_right_logical3A_176, %mul3A_178 : vector<16xi32>
    %add3A_180 = arith.addi %mul3A_173, %mul3A_179 : vector<16xi32>
    %and3A_181 = arith.constant 7 : i32
    %and3A_182 = vector.broadcast %and3A_181 : i32 to vector<16xi32>
    %and3A_183 = arith.andi %get3A_162, %and3A_182 : vector<16xi32>
    %shift_left3A_184 = arith.constant 7 : i32
    %shift_left3A_185 = vector.broadcast %shift_left3A_184 : i32 to vector<16xi32>
    %shift_left3A_186 = arith.shli %and3A_183, %shift_left3A_185 : vector<16xi32>
    %add3A_187 = arith.addi %add3A_180, %shift_left3A_186 : vector<16xi32>
    %and3A_188 = arith.constant 127 : i32
    %and3A_189 = vector.broadcast %and3A_188 : i32 to vector<16xi32>
    %and3A_190 = arith.andi %get3A_167, %and3A_189 : vector<16xi32>
    %add3A_191 = arith.addi %add3A_187, %and3A_190 : vector<16xi32>
    %swap3A_192 = arith.constant 0 : i32
    %swap3A_193 = arith.index_cast %swap3A_192 : i32 to index
    %swap3A_194 = arith.constant 64 : index
    %swap3A_195 = tpu.vector_load %arg6[%swap3A_193, %swap3A_194] {strides = array<i32>} : memref<4x128xi32, #tpu.memory_space<vmem>>, vector<1x16xi32>,
    %swap3A_196 = vector.shape_cast %swap3A_195 : vector<1x16xi32> to vector<16xi32>
    %swap3A_197 = vector.shape_cast %add3A_191 : vector<16xi32> to vector<1x16xi32>
    tpu.vector_store %arg6[%swap3A_193, %swap3A_194], %swap3A_197 {strides = array<i32>} : memref<4x128xi32, #tpu.memory_space<vmem>>, vector<1x16xi32>,
    %get3A_198 = arith.constant 0 : i32
    %get3A_199 = arith.index_cast %get3A_198 : i32 to index
    %get3A_200 = arith.constant 80 : index
    %get3A_201 = tpu.vector_load %arg5[%get3A_199, %get3A_200] {strides = array<i32>} : memref<2x512xi32, #tpu.memory_space<vmem>>, vector<1x16xi32>,
    %get3A_202 = vector.shape_cast %get3A_201 : vector<1x16xi32> to vector<16xi32>
    %get3A_203 = arith.constant 1 : i32
    %get3A_204 = arith.index_cast %get3A_203 : i32 to index
    %get3A_205 = arith.constant 80 : index
    %get3A_206 = tpu.vector_load %arg5[%get3A_204, %get3A_205] {strides = array<i32>} : memref<2x512xi32, #tpu.memory_space<vmem>>, vector<1x16xi32>,
    %get3A_207 = vector.shape_cast %get3A_206 : vector<1x16xi32> to vector<16xi32>
    %shift_right_logical3A_208 = arith.constant 3 : i32
    %shift_right_logical3A_209 = vector.broadcast %shift_right_logical3A_208 : i32 to vector<16xi32>
    %shift_right_logical3A_210 = arith.shrui %get3A_202, %shift_right_logical3A_209 : vector<16xi32>
    %mul3A_211 = arith.constant 8192 : i32
    %mul3A_212 = vector.broadcast %mul3A_211 : i32 to vector<16xi32>
    %mul3A_213 = arith.muli %shift_right_logical3A_210, %mul3A_212 : vector<16xi32>
    %shift_right_logical3A_214 = arith.constant 7 : i32
    %shift_right_logical3A_215 = vector.broadcast %shift_right_logical3A_214 : i32 to vector<16xi32>
    %shift_right_logical3A_216 = arith.shrui %get3A_207, %shift_right_logical3A_215 : vector<16xi32>
    %mul3A_217 = arith.constant 1024 : i32
    %mul3A_218 = vector.broadcast %mul3A_217 : i32 to vector<16xi32>
    %mul3A_219 = arith.muli %shift_right_logical3A_216, %mul3A_218 : vector<16xi32>
    %add3A_220 = arith.addi %mul3A_213, %mul3A_219 : vector<16xi32>
    %and3A_221 = arith.constant 7 : i32
    %and3A_222 = vector.broadcast %and3A_221 : i32 to vector<16xi32>
    %and3A_223 = arith.andi %get3A_202, %and3A_222 : vector<16xi32>
    %shift_left3A_224 = arith.constant 7 : i32
    %shift_left3A_225 = vector.broadcast %shift_left3A_224 : i32 to vector<16xi32>
    %shift_left3A_226 = arith.shli %and3A_223, %shift_left3A_225 : vector<16xi32>
    %add3A_227 = arith.addi %add3A_220, %shift_left3A_226 : vector<16xi32>
    %and3A_228 = arith.constant 127 : i32
    %and3A_229 = vector.broadcast %and3A_228 : i32 to vector<16xi32>
    %and3A_230 = arith.andi %get3A_207, %and3A_229 : vector<16xi32>
    %add3A_231 = arith.addi %add3A_227, %and3A_230 : vector<16xi32>
    %swap3A_232 = arith.constant 0 : i32
    %swap3A_233 = arith.index_cast %swap3A_232 : i32 to index
    %swap3A_234 = arith.constant 80 : index
    %swap3A_235 = tpu.vector_load %arg6[%swap3A_233, %swap3A_234] {strides = array<i32>} : memref<4x128xi32, #tpu.memory_space<vmem>>, vector<1x16xi32>,
    %swap3A_236 = vector.shape_cast %swap3A_235 : vector<1x16xi32> to vector<16xi32>
    %swap3A_237 = vector.shape_cast %add3A_231 : vector<16xi32> to vector<1x16xi32>
    tpu.vector_store %arg6[%swap3A_233, %swap3A_234], %swap3A_237 {strides = array<i32>} : memref<4x128xi32, #tpu.memory_space<vmem>>, vector<1x16xi32>,
    %get3A_238 = arith.constant 0 : i32
    %get3A_239 = arith.index_cast %get3A_238 : i32 to index
    %get3A_240 = arith.constant 96 : index
    %get3A_241 = tpu.vector_load %arg5[%get3A_239, %get3A_240] {strides = array<i32>} : memref<2x512xi32, #tpu.memory_space<vmem>>, vector<1x16xi32>,
    %get3A_242 = vector.shape_cast %get3A_241 : vector<1x16xi32> to vector<16xi32>
    %get3A_243 = arith.constant 1 : i32
    %get3A_244 = arith.index_cast %get3A_243 : i32 to index
    %get3A_245 = arith.constant 96 : index
    %get3A_246 = tpu.vector_load %arg5[%get3A_244, %get3A_245] {strides = array<i32>} : memref<2x512xi32, #tpu.memory_space<vmem>>, vector<1x16xi32>,
    %get3A_247 = vector.shape_cast %get3A_246 : vector<1x16xi32> to vector<16xi32>
    %shift_right_logical3A_248 = arith.constant 3 : i32
    %shift_right_logical3A_249 = vector.broadcast %shift_right_logical3A_248 : i32 to vector<16xi32>
    %shift_right_logical3A_250 = arith.shrui %get3A_242, %shift_right_logical3A_249 : vector<16xi32>
    %mul3A_251 = arith.constant 8192 : i32
    %mul3A_252 = vector.broadcast %mul3A_251 : i32 to vector<16xi32>
    %mul3A_253 = arith.muli %shift_right_logical3A_250, %mul3A_252 : vector<16xi32>
    %shift_right_logical3A_254 = arith.constant 7 : i32
    %shift_right_logical3A_255 = vector.broadcast %shift_right_logical3A_254 : i32 to vector<16xi32>
    %shift_right_logical3A_256 = arith.shrui %get3A_247, %shift_right_logical3A_255 : vector<16xi32>
    %mul3A_257 = arith.constant 1024 : i32
    %mul3A_258 = vector.broadcast %mul3A_257 : i32 to vector<16xi32>
    %mul3A_259 = arith.muli %shift_right_logical3A_256, %mul3A_258 : vector<16xi32>
    %add3A_260 = arith.addi %mul3A_253, %mul3A_259 : vector<16xi32>
    %and3A_261 = arith.constant 7 : i32
    %and3A_262 = vector.broadcast %and3A_261 : i32 to vector<16xi32>
    %and3A_263 = arith.andi %get3A_242, %and3A_262 : vector<16xi32>
    %shift_left3A_264 = arith.constant 7 : i32
    %shift_left3A_265 = vector.broadcast %shift_left3A_264 : i32 to vector<16xi32>
    %shift_left3A_266 = arith.shli %and3A_263, %shift_left3A_265 : vector<16xi32>
    %add3A_267 = arith.addi %add3A_260, %shift_left3A_266 : vector<16xi32>
    %and3A_268 = arith.constant 127 : i32
    %and3A_269 = vector.broadcast %and3A_268 : i32 to vector<16xi32>
    %and3A_270 = arith.andi %get3A_247, %and3A_269 : vector<16xi32>
    %add3A_271 = arith.addi %add3A_267, %and3A_270 : vector<16xi32>
    %swap3A_272 = arith.constant 0 : i32
    %swap3A_273 = arith.index_cast %swap3A_272 : i32 to index
    %swap3A_274 = arith.constant 96 : index
    %swap3A_275 = tpu.vector_load %arg6[%swap3A_273, %swap3A_274] {strides = array<i32>} : memref<4x128xi32, #tpu.memory_space<vmem>>, vector<1x16xi32>,
    %swap3A_276 = vector.shape_cast %swap3A_275 : vector<1x16xi32> to vector<16xi32>
    %swap3A_277 = vector.shape_cast %add3A_271 : vector<16xi32> to vector<1x16xi32>
    tpu.vector_store %arg6[%swap3A_273, %swap3A_274], %swap3A_277 {strides = array<i32>} : memref<4x128xi32, #tpu.memory_space<vmem>>, vector<1x16xi32>,
    %get3A_278 = arith.constant 0 : i32
    %get3A_279 = arith.index_cast %get3A_278 : i32 to index
    %get3A_280 = arith.constant 112 : index
    %get3A_281 = tpu.vector_load %arg5[%get3A_279, %get3A_280] {strides = array<i32>} : memref<2x512xi32, #tpu.memory_space<vmem>>, vector<1x16xi32>,
    %get3A_282 = vector.shape_cast %get3A_281 : vector<1x16xi32> to vector<16xi32>
    %get3A_283 = arith.constant 1 : i32
    %get3A_284 = arith.index_cast %get3A_283 : i32 to index
    %get3A_285 = arith.constant 112 : index
    %get3A_286 = tpu.vector_load %arg5[%get3A_284, %get3A_285] {strides = array<i32>} : memref<2x512xi32, #tpu.memory_space<vmem>>, vector<1x16xi32>,
    %get3A_287 = vector.shape_cast %get3A_286 : vector<1x16xi32> to vector<16xi32>
    %shift_right_logical3A_288 = arith.constant 3 : i32
    %shift_right_logical3A_289 = vector.broadcast %shift_right_logical3A_288 : i32 to vector<16xi32>
    %shift_right_logical3A_290 = arith.shrui %get3A_282, %shift_right_logical3A_289 : vector<16xi32>
    %mul3A_291 = arith.constant 8192 : i32
    %mul3A_292 = vector.broadcast %mul3A_291 : i32 to vector<16xi32>
    %mul3A_293 = arith.muli %shift_right_logical3A_290, %mul3A_292 : vector<16xi32>
    %shift_right_logical3A_294 = arith.constant 7 : i32
    %shift_right_logical3A_295 = vector.broadcast %shift_right_logical3A_294 : i32 to vector<16xi32>
    %shift_right_logical3A_296 = arith.shrui %get3A_287, %shift_right_logical3A_295 : vector<16xi32>
    %mul3A_297 = arith.constant 1024 : i32
    %mul3A_298 = vector.broadcast %mul3A_297 : i32 to vector<16xi32>
    %mul3A_299 = arith.muli %shift_right_logical3A_296, %mul3A_298 : vector<16xi32>
    %add3A_300 = arith.addi %mul3A_293, %mul3A_299 : vector<16xi32>
    %and3A_301 = arith.constant 7 : i32
    %and3A_302 = vector.broadcast %and3A_301 : i32 to vector<16xi32>
    %and3A_303 = arith.andi %get3A_282, %and3A_302 : vector<16xi32>
    %shift_left3A_304 = arith.constant 7 : i32
    %shift_left3A_305 = vector.broadcast %shift_left3A_304 : i32 to vector<16xi32>
    %shift_left3A_306 = arith.shli %and3A_303, %shift_left3A_305 : vector<16xi32>
    %add3A_307 = arith.addi %add3A_300, %shift_left3A_306 : vector<16xi32>
    %and3A_308 = arith.constant 127 : i32
    %and3A_309 = vector.broadcast %and3A_308 : i32 to vector<16xi32>
    %and3A_310 = arith.andi %get3A_287, %and3A_309 : vector<16xi32>
    %add3A_311 = arith.addi %add3A_307, %and3A_310 : vector<16xi32>
    %swap3A_312 = arith.constant 0 : i32
    %swap3A_313 = arith.index_cast %swap3A_312 : i32 to index
    %swap3A_314 = arith.constant 112 : index
    %swap3A_315 = tpu.vector_load %arg6[%swap3A_313, %swap3A_314] {strides = array<i32>} : memref<4x128xi32, #tpu.memory_space<vmem>>, vector<1x16xi32>,
    %swap3A_316 = vector.shape_cast %swap3A_315 : vector<1x16xi32> to vector<16xi32>
    %swap3A_317 = vector.shape_cast %add3A_311 : vector<16xi32> to vector<1x16xi32>
    tpu.vector_store %arg6[%swap3A_313, %swap3A_314], %swap3A_317 {strides = array<i32>} : memref<4x128xi32, #tpu.memory_space<vmem>>, vector<1x16xi32>,
    %dma_start3A = arith.constant 0 : i32
    %dma_start3A_318 = arith.constant 0 : i32
    %dma_start3A_319 = tpu.memref_slice %arg7[%dma_start3A_318] : memref<512xf32, #tpu.memory_space<vmem>> -> memref<128xf32, #tpu.memory_space<vmem>>
    %dma_start3A_320 = arith.constant 0 : i32
    %dma_start3A_321 = tpu.memref_slice %arg6[%dma_start3A, %dma_start3A_320] : memref<4x128xi32, #tpu.memory_space<vmem>> -> memref<1x128xi32, #tpu.memory_space<vmem>>
    %dma_start3A_322 = tpu.memref_squeeze %dma_start3A_321 : memref<1x128xi32, #tpu.memory_space<vmem>> -> memref<128xi32, #tpu.memory_space<vmem>>
    %dma_start3A_323 = arith.constant 0 : i32
    %dma_start3A_324 = tpu.memref_slice %arg3[%dma_start3A_323] : memref<1024000xf32, #tpu.memory_space<hbm>> -> memref<1024000xf32, #tpu.memory_space<hbm>>
    tpu.enqueue_indirect_dma source(%dma_start3A_324 : memref<1024000xf32, #tpu.memory_space<hbm>>) target(%dma_start3A_319 : memref<128xf32, #tpu.memory_space<vmem>>) offsets(%dma_start3A_322 : memref<128xi32, #tpu.memory_space<vmem>>) semaphore(%arg8 : memref<!tpu.dma_semaphore, #tpu.memory_space<semaphore_mem>>)
    %get3A_325 = arith.constant 0 : i32
    %get3A_326 = arith.index_cast %get3A_325 : i32 to index
    %get3A_327 = arith.constant 128 : index
    %get3A_328 = tpu.vector_load %arg5[%get3A_326, %get3A_327] {strides = array<i32>} : memref<2x512xi32, #tpu.memory_space<vmem>>, vector<1x16xi32>,
    %get3A_329 = vector.shape_cast %get3A_328 : vector<1x16xi32> to vector<16xi32>
    %get3A_330 = arith.constant 1 : i32
    %get3A_331 = arith.index_cast %get3A_330 : i32 to index
    %get3A_332 = arith.constant 128 : index
    %get3A_333 = tpu.vector_load %arg5[%get3A_331, %get3A_332] {strides = array<i32>} : memref<2x512xi32, #tpu.memory_space<vmem>>, vector<1x16xi32>,
    %get3A_334 = vector.shape_cast %get3A_333 : vector<1x16xi32> to vector<16xi32>
    %shift_right_logical3A_335 = arith.constant 3 : i32
    %shift_right_logical3A_336 = vector.broadcast %shift_right_logical3A_335 : i32 to vector<16xi32>
    %shift_right_logical3A_337 = arith.shrui %get3A_329, %shift_right_logical3A_336 : vector<16xi32>
    %mul3A_338 = arith.constant 8192 : i32
    %mul3A_339 = vector.broadcast %mul3A_338 : i32 to vector<16xi32>
    %mul3A_340 = arith.muli %shift_right_logical3A_337, %mul3A_339 : vector<16xi32>
    %shift_right_logical3A_341 = arith.constant 7 : i32
    %shift_right_logical3A_342 = vector.broadcast %shift_right_logical3A_341 : i32 to vector<16xi32>
    %shift_right_logical3A_343 = arith.shrui %get3A_334, %shift_right_logical3A_342 : vector<16xi32>
    %mul3A_344 = arith.constant 1024 : i32
    %mul3A_345 = vector.broadcast %mul3A_344 : i32 to vector<16xi32>
    %mul3A_346 = arith.muli %shift_right_logical3A_343, %mul3A_345 : vector<16xi32>
    %add3A_347 = arith.addi %mul3A_340, %mul3A_346 : vector<16xi32>
    %and3A_348 = arith.constant 7 : i32
    %and3A_349 = vector.broadcast %and3A_348 : i32 to vector<16xi32>
    %and3A_350 = arith.andi %get3A_329, %and3A_349 : vector<16xi32>
    %shift_left3A_351 = arith.constant 7 : i32
    %shift_left3A_352 = vector.broadcast %shift_left3A_351 : i32 to vector<16xi32>
    %shift_left3A_353 = arith.shli %and3A_350, %shift_left3A_352 : vector<16xi32>
    %add3A_354 = arith.addi %add3A_347, %shift_left3A_353 : vector<16xi32>
    %and3A_355 = arith.constant 127 : i32
    %and3A_356 = vector.broadcast %and3A_355 : i32 to vector<16xi32>
    %and3A_357 = arith.andi %get3A_334, %and3A_356 : vector<16xi32>
    %add3A_358 = arith.addi %add3A_354, %and3A_357 : vector<16xi32>
    %swap3A_359 = arith.constant 1 : i32
    %swap3A_360 = arith.index_cast %swap3A_359 : i32 to index
    %swap3A_361 = arith.constant 0 : index
    %swap3A_362 = tpu.vector_load %arg6[%swap3A_360, %swap3A_361] {strides = array<i32>} : memref<4x128xi32, #tpu.memory_space<vmem>>, vector<1x16xi32>,
    %swap3A_363 = vector.shape_cast %swap3A_362 : vector<1x16xi32> to vector<16xi32>
    %swap3A_364 = vector.shape_cast %add3A_358 : vector<16xi32> to vector<1x16xi32>
    tpu.vector_store %arg6[%swap3A_360, %swap3A_361], %swap3A_364 {strides = array<i32>} : memref<4x128xi32, #tpu.memory_space<vmem>>, vector<1x16xi32>,
    %get3A_365 = arith.constant 0 : i32
    %get3A_366 = arith.index_cast %get3A_365 : i32 to index
    %get3A_367 = arith.constant 144 : index
    %get3A_368 = tpu.vector_load %arg5[%get3A_366, %get3A_367] {strides = array<i32>} : memref<2x512xi32, #tpu.memory_space<vmem>>, vector<1x16xi32>,
    %get3A_369 = vector.shape_cast %get3A_368 : vector<1x16xi32> to vector<16xi32>
    %get3A_370 = arith.constant 1 : i32
    %get3A_371 = arith.index_cast %get3A_370 : i32 to index
    %get3A_372 = arith.constant 144 : index
    %get3A_373 = tpu.vector_load %arg5[%get3A_371, %get3A_372] {strides = array<i32>} : memref<2x512xi32, #tpu.memory_space<vmem>>, vector<1x16xi32>,
    %get3A_374 = vector.shape_cast %get3A_373 : vector<1x16xi32> to vector<16xi32>
    %shift_right_logical3A_375 = arith.constant 3 : i32
    %shift_right_logical3A_376 = vector.broadcast %shift_right_logical3A_375 : i32 to vector<16xi32>
    %shift_right_logical3A_377 = arith.shrui %get3A_369, %shift_right_logical3A_376 : vector<16xi32>
    %mul3A_378 = arith.constant 8192 : i32
    %mul3A_379 = vector.broadcast %mul3A_378 : i32 to vector<16xi32>
    %mul3A_380 = arith.muli %shift_right_logical3A_377, %mul3A_379 : vector<16xi32>
    %shift_right_logical3A_381 = arith.constant 7 : i32
    %shift_right_logical3A_382 = vector.broadcast %shift_right_logical3A_381 : i32 to vector<16xi32>
    %shift_right_logical3A_383 = arith.shrui %get3A_374, %shift_right_logical3A_382 : vector<16xi32>
    %mul3A_384 = arith.constant 1024 : i32
    %mul3A_385 = vector.broadcast %mul3A_384 : i32 to vector<16xi32>
    %mul3A_386 = arith.muli %shift_right_logical3A_383, %mul3A_385 : vector<16xi32>
    %add3A_387 = arith.addi %mul3A_380, %mul3A_386 : vector<16xi32>
    %and3A_388 = arith.constant 7 : i32
    %and3A_389 = vector.broadcast %and3A_388 : i32 to vector<16xi32>
    %and3A_390 = arith.andi %get3A_369, %and3A_389 : vector<16xi32>
    %shift_left3A_391 = arith.constant 7 : i32
    %shift_left3A_392 = vector.broadcast %shift_left3A_391 : i32 to vector<16xi32>
    %shift_left3A_393 = arith.shli %and3A_390, %shift_left3A_392 : vector<16xi32>
    %add3A_394 = arith.addi %add3A_387, %shift_left3A_393 : vector<16xi32>
    %and3A_395 = arith.constant 127 : i32
    %and3A_396 = vector.broadcast %and3A_395 : i32 to vector<16xi32>
    %and3A_397 = arith.andi %get3A_374, %and3A_396 : vector<16xi32>
    %add3A_398 = arith.addi %add3A_394, %and3A_397 : vector<16xi32>
    %swap3A_399 = arith.constant 1 : i32
    %swap3A_400 = arith.index_cast %swap3A_399 : i32 to index
    %swap3A_401 = arith.constant 16 : index
    %swap3A_402 = tpu.vector_load %arg6[%swap3A_400, %swap3A_401] {strides = array<i32>} : memref<4x128xi32, #tpu.memory_space<vmem>>, vector<1x16xi32>,
    %swap3A_403 = vector.shape_cast %swap3A_402 : vector<1x16xi32> to vector<16xi32>
    %swap3A_404 = vector.shape_cast %add3A_398 : vector<16xi32> to vector<1x16xi32>
    tpu.vector_store %arg6[%swap3A_400, %swap3A_401], %swap3A_404 {strides = array<i32>} : memref<4x128xi32, #tpu.memory_space<vmem>>, vector<1x16xi32>,
    %get3A_405 = arith.constant 0 : i32
    %get3A_406 = arith.index_cast %get3A_405 : i32 to index
    %get3A_407 = arith.constant 160 : index
    %get3A_408 = tpu.vector_load %arg5[%get3A_406, %get3A_407] {strides = array<i32>} : memref<2x512xi32, #tpu.memory_space<vmem>>, vector<1x16xi32>,
    %get3A_409 = vector.shape_cast %get3A_408 : vector<1x16xi32> to vector<16xi32>
    %get3A_410 = arith.constant 1 : i32
    %get3A_411 = arith.index_cast %get3A_410 : i32 to index
    %get3A_412 = arith.constant 160 : index
    %get3A_413 = tpu.vector_load %arg5[%get3A_411, %get3A_412] {strides = array<i32>} : memref<2x512xi32, #tpu.memory_space<vmem>>, vector<1x16xi32>,
    %get3A_414 = vector.shape_cast %get3A_413 : vector<1x16xi32> to vector<16xi32>
    %shift_right_logical3A_415 = arith.constant 3 : i32
    %shift_right_logical3A_416 = vector.broadcast %shift_right_logical3A_415 : i32 to vector<16xi32>
    %shift_right_logical3A_417 = arith.shrui %get3A_409, %shift_right_logical3A_416 : vector<16xi32>
    %mul3A_418 = arith.constant 8192 : i32
    %mul3A_419 = vector.broadcast %mul3A_418 : i32 to vector<16xi32>
    %mul3A_420 = arith.muli %shift_right_logical3A_417, %mul3A_419 : vector<16xi32>
    %shift_right_logical3A_421 = arith.constant 7 : i32
    %shift_right_logical3A_422 = vector.broadcast %shift_right_logical3A_421 : i32 to vector<16xi32>
    %shift_right_logical3A_423 = arith.shrui %get3A_414, %shift_right_logical3A_422 : vector<16xi32>
    %mul3A_424 = arith.constant 1024 : i32
    %mul3A_425 = vector.broadcast %mul3A_424 : i32 to vector<16xi32>
    %mul3A_426 = arith.muli %shift_right_logical3A_423, %mul3A_425 : vector<16xi32>
    %add3A_427 = arith.addi %mul3A_420, %mul3A_426 : vector<16xi32>
    %and3A_428 = arith.constant 7 : i32
    %and3A_429 = vector.broadcast %and3A_428 : i32 to vector<16xi32>
    %and3A_430 = arith.andi %get3A_409, %and3A_429 : vector<16xi32>
    %shift_left3A_431 = arith.constant 7 : i32
    %shift_left3A_432 = vector.broadcast %shift_left3A_431 : i32 to vector<16xi32>
    %shift_left3A_433 = arith.shli %and3A_430, %shift_left3A_432 : vector<16xi32>
    %add3A_434 = arith.addi %add3A_427, %shift_left3A_433 : vector<16xi32>
    %and3A_435 = arith.constant 127 : i32
    %and3A_436 = vector.broadcast %and3A_435 : i32 to vector<16xi32>
    %and3A_437 = arith.andi %get3A_414, %and3A_436 : vector<16xi32>
    %add3A_438 = arith.addi %add3A_434, %and3A_437 : vector<16xi32>
    %swap3A_439 = arith.constant 1 : i32
    %swap3A_440 = arith.index_cast %swap3A_439 : i32 to index
    %swap3A_441 = arith.constant 32 : index
    %swap3A_442 = tpu.vector_load %arg6[%swap3A_440, %swap3A_441] {strides = array<i32>} : memref<4x128xi32, #tpu.memory_space<vmem>>, vector<1x16xi32>,
    %swap3A_443 = vector.shape_cast %swap3A_442 : vector<1x16xi32> to vector<16xi32>
    %swap3A_444 = vector.shape_cast %add3A_438 : vector<16xi32> to vector<1x16xi32>
    tpu.vector_store %arg6[%swap3A_440, %swap3A_441], %swap3A_444 {strides = array<i32>} : memref<4x128xi32, #tpu.memory_space<vmem>>, vector<1x16xi32>,
    %get3A_445 = arith.constant 0 : i32
    %get3A_446 = arith.index_cast %get3A_445 : i32 to index
    %get3A_447 = arith.constant 176 : index
    %get3A_448 = tpu.vector_load %arg5[%get3A_446, %get3A_447] {strides = array<i32>} : memref<2x512xi32, #tpu.memory_space<vmem>>, vector<1x16xi32>,
    %get3A_449 = vector.shape_cast %get3A_448 : vector<1x16xi32> to vector<16xi32>
    %get3A_450 = arith.constant 1 : i32
    %get3A_451 = arith.index_cast %get3A_450 : i32 to index
    %get3A_452 = arith.constant 176 : index
    %get3A_453 = tpu.vector_load %arg5[%get3A_451, %get3A_452] {strides = array<i32>} : memref<2x512xi32, #tpu.memory_space<vmem>>, vector<1x16xi32>,
    %get3A_454 = vector.shape_cast %get3A_453 : vector<1x16xi32> to vector<16xi32>
    %shift_right_logical3A_455 = arith.constant 3 : i32
    %shift_right_logical3A_456 = vector.broadcast %shift_right_logical3A_455 : i32 to vector<16xi32>
    %shift_right_logical3A_457 = arith.shrui %get3A_449, %shift_right_logical3A_456 : vector<16xi32>
    %mul3A_458 = arith.constant 8192 : i32
    %mul3A_459 = vector.broadcast %mul3A_458 : i32 to vector<16xi32>
    %mul3A_460 = arith.muli %shift_right_logical3A_457, %mul3A_459 : vector<16xi32>
    %shift_right_logical3A_461 = arith.constant 7 : i32
    %shift_right_logical3A_462 = vector.broadcast %shift_right_logical3A_461 : i32 to vector<16xi32>
    %shift_right_logical3A_463 = arith.shrui %get3A_454, %shift_right_logical3A_462 : vector<16xi32>
    %mul3A_464 = arith.constant 1024 : i32
    %mul3A_465 = vector.broadcast %mul3A_464 : i32 to vector<16xi32>
    %mul3A_466 = arith.muli %shift_right_logical3A_463, %mul3A_465 : vector<16xi32>
    %add3A_467 = arith.addi %mul3A_460, %mul3A_466 : vector<16xi32>
    %and3A_468 = arith.constant 7 : i32
    %and3A_469 = vector.broadcast %and3A_468 : i32 to vector<16xi32>
    %and3A_470 = arith.andi %get3A_449, %and3A_469 : vector<16xi32>
    %shift_left3A_471 = arith.constant 7 : i32
    %shift_left3A_472 = vector.broadcast %shift_left3A_471 : i32 to vector<16xi32>
    %shift_left3A_473 = arith.shli %and3A_470, %shift_left3A_472 : vector<16xi32>
    %add3A_474 = arith.addi %add3A_467, %shift_left3A_473 : vector<16xi32>
    %and3A_475 = arith.constant 127 : i32
    %and3A_476 = vector.broadcast %and3A_475 : i32 to vector<16xi32>
    %and3A_477 = arith.andi %get3A_454, %and3A_476 : vector<16xi32>
    %add3A_478 = arith.addi %add3A_474, %and3A_477 : vector<16xi32>
    %swap3A_479 = arith.constant 1 : i32
    %swap3A_480 = arith.index_cast %swap3A_479 : i32 to index
    %swap3A_481 = arith.constant 48 : index
    %swap3A_482 = tpu.vector_load %arg6[%swap3A_480, %swap3A_481] {strides = array<i32>} : memref<4x128xi32, #tpu.memory_space<vmem>>, vector<1x16xi32>,
    %swap3A_483 = vector.shape_cast %swap3A_482 : vector<1x16xi32> to vector<16xi32>
    %swap3A_484 = vector.shape_cast %add3A_478 : vector<16xi32> to vector<1x16xi32>
    tpu.vector_store %arg6[%swap3A_480, %swap3A_481], %swap3A_484 {strides = array<i32>} : memref<4x128xi32, #tpu.memory_space<vmem>>, vector<1x16xi32>,
    %get3A_485 = arith.constant 0 : i32
    %get3A_486 = arith.index_cast %get3A_485 : i32 to index
    %get3A_487 = arith.constant 192 : index
    %get3A_488 = tpu.vector_load %arg5[%get3A_486, %get3A_487] {strides = array<i32>} : memref<2x512xi32, #tpu.memory_space<vmem>>, vector<1x16xi32>,
    %get3A_489 = vector.shape_cast %get3A_488 : vector<1x16xi32> to vector<16xi32>
    %get3A_490 = arith.constant 1 : i32
    %get3A_491 = arith.index_cast %get3A_490 : i32 to index
    %get3A_492 = arith.constant 192 : index
    %get3A_493 = tpu.vector_load %arg5[%get3A_491, %get3A_492] {strides = array<i32>} : memref<2x512xi32, #tpu.memory_space<vmem>>, vector<1x16xi32>,
    %get3A_494 = vector.shape_cast %get3A_493 : vector<1x16xi32> to vector<16xi32>
    %shift_right_logical3A_495 = arith.constant 3 : i32
    %shift_right_logical3A_496 = vector.broadcast %shift_right_logical3A_495 : i32 to vector<16xi32>
    %shift_right_logical3A_497 = arith.shrui %get3A_489, %shift_right_logical3A_496 : vector<16xi32>
    %mul3A_498 = arith.constant 8192 : i32
    %mul3A_499 = vector.broadcast %mul3A_498 : i32 to vector<16xi32>
    %mul3A_500 = arith.muli %shift_right_logical3A_497, %mul3A_499 : vector<16xi32>
    %shift_right_logical3A_501 = arith.constant 7 : i32
    %shift_right_logical3A_502 = vector.broadcast %shift_right_logical3A_501 : i32 to vector<16xi32>
    %shift_right_logical3A_503 = arith.shrui %get3A_494, %shift_right_logical3A_502 : vector<16xi32>
    %mul3A_504 = arith.constant 1024 : i32
    %mul3A_505 = vector.broadcast %mul3A_504 : i32 to vector<16xi32>
    %mul3A_506 = arith.muli %shift_right_logical3A_503, %mul3A_505 : vector<16xi32>
    %add3A_507 = arith.addi %mul3A_500, %mul3A_506 : vector<16xi32>
    %and3A_508 = arith.constant 7 : i32
    %and3A_509 = vector.broadcast %and3A_508 : i32 to vector<16xi32>
    %and3A_510 = arith.andi %get3A_489, %and3A_509 : vector<16xi32>
    %shift_left3A_511 = arith.constant 7 : i32
    %shift_left3A_512 = vector.broadcast %shift_left3A_511 : i32 to vector<16xi32>
    %shift_left3A_513 = arith.shli %and3A_510, %shift_left3A_512 : vector<16xi32>
    %add3A_514 = arith.addi %add3A_507, %shift_left3A_513 : vector<16xi32>
    %and3A_515 = arith.constant 127 : i32
    %and3A_516 = vector.broadcast %and3A_515 : i32 to vector<16xi32>
    %and3A_517 = arith.andi %get3A_494, %and3A_516 : vector<16xi32>
    %add3A_518 = arith.addi %add3A_514, %and3A_517 : vector<16xi32>
    %swap3A_519 = arith.constant 1 : i32
    %swap3A_520 = arith.index_cast %swap3A_519 : i32 to index
    %swap3A_521 = arith.constant 64 : index
    %swap3A_522 = tpu.vector_load %arg6[%swap3A_520, %swap3A_521] {strides = array<i32>} : memref<4x128xi32, #tpu.memory_space<vmem>>, vector<1x16xi32>,
    %swap3A_523 = vector.shape_cast %swap3A_522 : vector<1x16xi32> to vector<16xi32>
    %swap3A_524 = vector.shape_cast %add3A_518 : vector<16xi32> to vector<1x16xi32>
    tpu.vector_store %arg6[%swap3A_520, %swap3A_521], %swap3A_524 {strides = array<i32>} : memref<4x128xi32, #tpu.memory_space<vmem>>, vector<1x16xi32>,
    %get3A_525 = arith.constant 0 : i32
    %get3A_526 = arith.index_cast %get3A_525 : i32 to index
    %get3A_527 = arith.constant 208 : index
    %get3A_528 = tpu.vector_load %arg5[%get3A_526, %get3A_527] {strides = array<i32>} : memref<2x512xi32, #tpu.memory_space<vmem>>, vector<1x16xi32>,
    %get3A_529 = vector.shape_cast %get3A_528 : vector<1x16xi32> to vector<16xi32>
    %get3A_530 = arith.constant 1 : i32
    %get3A_531 = arith.index_cast %get3A_530 : i32 to index
    %get3A_532 = arith.constant 208 : index
    %get3A_533 = tpu.vector_load %arg5[%get3A_531, %get3A_532] {strides = array<i32>} : memref<2x512xi32, #tpu.memory_space<vmem>>, vector<1x16xi32>,
    %get3A_534 = vector.shape_cast %get3A_533 : vector<1x16xi32> to vector<16xi32>
    %shift_right_logical3A_535 = arith.constant 3 : i32
    %shift_right_logical3A_536 = vector.broadcast %shift_right_logical3A_535 : i32 to vector<16xi32>
    %shift_right_logical3A_537 = arith.shrui %get3A_529, %shift_right_logical3A_536 : vector<16xi32>
    %mul3A_538 = arith.constant 8192 : i32
    %mul3A_539 = vector.broadcast %mul3A_538 : i32 to vector<16xi32>
    %mul3A_540 = arith.muli %shift_right_logical3A_537, %mul3A_539 : vector<16xi32>
    %shift_right_logical3A_541 = arith.constant 7 : i32
    %shift_right_logical3A_542 = vector.broadcast %shift_right_logical3A_541 : i32 to vector<16xi32>
    %shift_right_logical3A_543 = arith.shrui %get3A_534, %shift_right_logical3A_542 : vector<16xi32>
    %mul3A_544 = arith.constant 1024 : i32
    %mul3A_545 = vector.broadcast %mul3A_544 : i32 to vector<16xi32>
    %mul3A_546 = arith.muli %shift_right_logical3A_543, %mul3A_545 : vector<16xi32>
    %add3A_547 = arith.addi %mul3A_540, %mul3A_546 : vector<16xi32>
    %and3A_548 = arith.constant 7 : i32
    %and3A_549 = vector.broadcast %and3A_548 : i32 to vector<16xi32>
    %and3A_550 = arith.andi %get3A_529, %and3A_549 : vector<16xi32>
    %shift_left3A_551 = arith.constant 7 : i32
    %shift_left3A_552 = vector.broadcast %shift_left3A_551 : i32 to vector<16xi32>
    %shift_left3A_553 = arith.shli %and3A_550, %shift_left3A_552 : vector<16xi32>
    %add3A_554 = arith.addi %add3A_547, %shift_left3A_553 : vector<16xi32>
    %and3A_555 = arith.constant 127 : i32
    %and3A_556 = vector.broadcast %and3A_555 : i32 to vector<16xi32>
    %and3A_557 = arith.andi %get3A_534, %and3A_556 : vector<16xi32>
    %add3A_558 = arith.addi %add3A_554, %and3A_557 : vector<16xi32>
    %swap3A_559 = arith.constant 1 : i32
    %swap3A_560 = arith.index_cast %swap3A_559 : i32 to index
    %swap3A_561 = arith.constant 80 : index
    %swap3A_562 = tpu.vector_load %arg6[%swap3A_560, %swap3A_561] {strides = array<i32>} : memref<4x128xi32, #tpu.memory_space<vmem>>, vector<1x16xi32>,
    %swap3A_563 = vector.shape_cast %swap3A_562 : vector<1x16xi32> to vector<16xi32>
    %swap3A_564 = vector.shape_cast %add3A_558 : vector<16xi32> to vector<1x16xi32>
    tpu.vector_store %arg6[%swap3A_560, %swap3A_561], %swap3A_564 {strides = array<i32>} : memref<4x128xi32, #tpu.memory_space<vmem>>, vector<1x16xi32>,
    %get3A_565 = arith.constant 0 : i32
    %get3A_566 = arith.index_cast %get3A_565 : i32 to index
    %get3A_567 = arith.constant 224 : index
    %get3A_568 = tpu.vector_load %arg5[%get3A_566, %get3A_567] {strides = array<i32>} : memref<2x512xi32, #tpu.memory_space<vmem>>, vector<1x16xi32>,
    %get3A_569 = vector.shape_cast %get3A_568 : vector<1x16xi32> to vector<16xi32>
    %get3A_570 = arith.constant 1 : i32
    %get3A_571 = arith.index_cast %get3A_570 : i32 to index
    %get3A_572 = arith.constant 224 : index
    %get3A_573 = tpu.vector_load %arg5[%get3A_571, %get3A_572] {strides = array<i32>} : memref<2x512xi32, #tpu.memory_space<vmem>>, vector<1x16xi32>,
    %get3A_574 = vector.shape_cast %get3A_573 : vector<1x16xi32> to vector<16xi32>
    %shift_right_logical3A_575 = arith.constant 3 : i32
    %shift_right_logical3A_576 = vector.broadcast %shift_right_logical3A_575 : i32 to vector<16xi32>
    %shift_right_logical3A_577 = arith.shrui %get3A_569, %shift_right_logical3A_576 : vector<16xi32>
    %mul3A_578 = arith.constant 8192 : i32
    %mul3A_579 = vector.broadcast %mul3A_578 : i32 to vector<16xi32>
    %mul3A_580 = arith.muli %shift_right_logical3A_577, %mul3A_579 : vector<16xi32>
    %shift_right_logical3A_581 = arith.constant 7 : i32
    %shift_right_logical3A_582 = vector.broadcast %shift_right_logical3A_581 : i32 to vector<16xi32>
    %shift_right_logical3A_583 = arith.shrui %get3A_574, %shift_right_logical3A_582 : vector<16xi32>
    %mul3A_584 = arith.constant 1024 : i32
    %mul3A_585 = vector.broadcast %mul3A_584 : i32 to vector<16xi32>
    %mul3A_586 = arith.muli %shift_right_logical3A_583, %mul3A_585 : vector<16xi32>
    %add3A_587 = arith.addi %mul3A_580, %mul3A_586 : vector<16xi32>
    %and3A_588 = arith.constant 7 : i32
    %and3A_589 = vector.broadcast %and3A_588 : i32 to vector<16xi32>
    %and3A_590 = arith.andi %get3A_569, %and3A_589 : vector<16xi32>
    %shift_left3A_591 = arith.constant 7 : i32
    %shift_left3A_592 = vector.broadcast %shift_left3A_591 : i32 to vector<16xi32>
    %shift_left3A_593 = arith.shli %and3A_590, %shift_left3A_592 : vector<16xi32>
    %add3A_594 = arith.addi %add3A_587, %shift_left3A_593 : vector<16xi32>
    %and3A_595 = arith.constant 127 : i32
    %and3A_596 = vector.broadcast %and3A_595 : i32 to vector<16xi32>
    %and3A_597 = arith.andi %get3A_574, %and3A_596 : vector<16xi32>
    %add3A_598 = arith.addi %add3A_594, %and3A_597 : vector<16xi32>
    %swap3A_599 = arith.constant 1 : i32
    %swap3A_600 = arith.index_cast %swap3A_599 : i32 to index
    %swap3A_601 = arith.constant 96 : index
    %swap3A_602 = tpu.vector_load %arg6[%swap3A_600, %swap3A_601] {strides = array<i32>} : memref<4x128xi32, #tpu.memory_space<vmem>>, vector<1x16xi32>,
    %swap3A_603 = vector.shape_cast %swap3A_602 : vector<1x16xi32> to vector<16xi32>
    %swap3A_604 = vector.shape_cast %add3A_598 : vector<16xi32> to vector<1x16xi32>
    tpu.vector_store %arg6[%swap3A_600, %swap3A_601], %swap3A_604 {strides = array<i32>} : memref<4x128xi32, #tpu.memory_space<vmem>>, vector<1x16xi32>,
    %get3A_605 = arith.constant 0 : i32
    %get3A_606 = arith.index_cast %get3A_605 : i32 to index
    %get3A_607 = arith.constant 240 : index
    %get3A_608 = tpu.vector_load %arg5[%get3A_606, %get3A_607] {strides = array<i32>} : memref<2x512xi32, #tpu.memory_space<vmem>>, vector<1x16xi32>,
    %get3A_609 = vector.shape_cast %get3A_608 : vector<1x16xi32> to vector<16xi32>
    %get3A_610 = arith.constant 1 : i32
    %get3A_611 = arith.index_cast %get3A_610 : i32 to index
    %get3A_612 = arith.constant 240 : index
    %get3A_613 = tpu.vector_load %arg5[%get3A_611, %get3A_612] {strides = array<i32>} : memref<2x512xi32, #tpu.memory_space<vmem>>, vector<1x16xi32>,
    %get3A_614 = vector.shape_cast %get3A_613 : vector<1x16xi32> to vector<16xi32>
    %shift_right_logical3A_615 = arith.constant 3 : i32
    %shift_right_logical3A_616 = vector.broadcast %shift_right_logical3A_615 : i32 to vector<16xi32>
    %shift_right_logical3A_617 = arith.shrui %get3A_609, %shift_right_logical3A_616 : vector<16xi32>
    %mul3A_618 = arith.constant 8192 : i32
    %mul3A_619 = vector.broadcast %mul3A_618 : i32 to vector<16xi32>
    %mul3A_620 = arith.muli %shift_right_logical3A_617, %mul3A_619 : vector<16xi32>
    %shift_right_logical3A_621 = arith.constant 7 : i32
    %shift_right_logical3A_622 = vector.broadcast %shift_right_logical3A_621 : i32 to vector<16xi32>
    %shift_right_logical3A_623 = arith.shrui %get3A_614, %shift_right_logical3A_622 : vector<16xi32>
    %mul3A_624 = arith.constant 1024 : i32
    %mul3A_625 = vector.broadcast %mul3A_624 : i32 to vector<16xi32>
    %mul3A_626 = arith.muli %shift_right_logical3A_623, %mul3A_625 : vector<16xi32>
    %add3A_627 = arith.addi %mul3A_620, %mul3A_626 : vector<16xi32>
    %and3A_628 = arith.constant 7 : i32
    %and3A_629 = vector.broadcast %and3A_628 : i32 to vector<16xi32>
    %and3A_630 = arith.andi %get3A_609, %and3A_629 : vector<16xi32>
    %shift_left3A_631 = arith.constant 7 : i32
    %shift_left3A_632 = vector.broadcast %shift_left3A_631 : i32 to vector<16xi32>
    %shift_left3A_633 = arith.shli %and3A_630, %shift_left3A_632 : vector<16xi32>
    %add3A_634 = arith.addi %add3A_627, %shift_left3A_633 : vector<16xi32>
    %and3A_635 = arith.constant 127 : i32
    %and3A_636 = vector.broadcast %and3A_635 : i32 to vector<16xi32>
    %and3A_637 = arith.andi %get3A_614, %and3A_636 : vector<16xi32>
    %add3A_638 = arith.addi %add3A_634, %and3A_637 : vector<16xi32>
    %swap3A_639 = arith.constant 1 : i32
    %swap3A_640 = arith.index_cast %swap3A_639 : i32 to index
    %swap3A_641 = arith.constant 112 : index
    %swap3A_642 = tpu.vector_load %arg6[%swap3A_640, %swap3A_641] {strides = array<i32>} : memref<4x128xi32, #tpu.memory_space<vmem>>, vector<1x16xi32>,
    %swap3A_643 = vector.shape_cast %swap3A_642 : vector<1x16xi32> to vector<16xi32>
    %swap3A_644 = vector.shape_cast %add3A_638 : vector<16xi32> to vector<1x16xi32>
    tpu.vector_store %arg6[%swap3A_640, %swap3A_641], %swap3A_644 {strides = array<i32>} : memref<4x128xi32, #tpu.memory_space<vmem>>, vector<1x16xi32>,
    %dma_start3A_645 = arith.constant 1 : i32
    %dma_start3A_646 = arith.constant 128 : i32
    %dma_start3A_647 = tpu.memref_slice %arg7[%dma_start3A_646] : memref<512xf32, #tpu.memory_space<vmem>> -> memref<128xf32, #tpu.memory_space<vmem>>
    %dma_start3A_648 = arith.constant 0 : i32
    %dma_start3A_649 = tpu.memref_slice %arg6[%dma_start3A_645, %dma_start3A_648] : memref<4x128xi32, #tpu.memory_space<vmem>> -> memref<1x128xi32, #tpu.memory_space<vmem>>
    %dma_start3A_650 = tpu.memref_squeeze %dma_start3A_649 : memref<1x128xi32, #tpu.memory_space<vmem>> -> memref<128xi32, #tpu.memory_space<vmem>>
    %dma_start3A_651 = arith.constant 0 : i32
    %dma_start3A_652 = tpu.memref_slice %arg3[%dma_start3A_651] : memref<1024000xf32, #tpu.memory_space<hbm>> -> memref<1024000xf32, #tpu.memory_space<hbm>>
    tpu.enqueue_indirect_dma source(%dma_start3A_652 : memref<1024000xf32, #tpu.memory_space<hbm>>) target(%dma_start3A_647 : memref<128xf32, #tpu.memory_space<vmem>>) offsets(%dma_start3A_650 : memref<128xi32, #tpu.memory_space<vmem>>) semaphore(%arg8 : memref<!tpu.dma_semaphore, #tpu.memory_space<semaphore_mem>>)
    %get3A_653 = arith.constant 0 : i32
    %get3A_654 = arith.index_cast %get3A_653 : i32 to index
    %get3A_655 = arith.constant 256 : index
    %get3A_656 = tpu.vector_load %arg5[%get3A_654, %get3A_655] {strides = array<i32>} : memref<2x512xi32, #tpu.memory_space<vmem>>, vector<1x16xi32>,
    %get3A_657 = vector.shape_cast %get3A_656 : vector<1x16xi32> to vector<16xi32>
    %get3A_658 = arith.constant 1 : i32
    %get3A_659 = arith.index_cast %get3A_658 : i32 to index
    %get3A_660 = arith.constant 256 : index
    %get3A_661 = tpu.vector_load %arg5[%get3A_659, %get3A_660] {strides = array<i32>} : memref<2x512xi32, #tpu.memory_space<vmem>>, vector<1x16xi32>,
    %get3A_662 = vector.shape_cast %get3A_661 : vector<1x16xi32> to vector<16xi32>
    %shift_right_logical3A_663 = arith.constant 3 : i32
    %shift_right_logical3A_664 = vector.broadcast %shift_right_logical3A_663 : i32 to vector<16xi32>
    %shift_right_logical3A_665 = arith.shrui %get3A_657, %shift_right_logical3A_664 : vector<16xi32>
    %mul3A_666 = arith.constant 8192 : i32
    %mul3A_667 = vector.broadcast %mul3A_666 : i32 to vector<16xi32>
    %mul3A_668 = arith.muli %shift_right_logical3A_665, %mul3A_667 : vector<16xi32>
    %shift_right_logical3A_669 = arith.constant 7 : i32
    %shift_right_logical3A_670 = vector.broadcast %shift_right_logical3A_669 : i32 to vector<16xi32>
    %shift_right_logical3A_671 = arith.shrui %get3A_662, %shift_right_logical3A_670 : vector<16xi32>
    %mul3A_672 = arith.constant 1024 : i32
    %mul3A_673 = vector.broadcast %mul3A_672 : i32 to vector<16xi32>
    %mul3A_674 = arith.muli %shift_right_logical3A_671, %mul3A_673 : vector<16xi32>
    %add3A_675 = arith.addi %mul3A_668, %mul3A_674 : vector<16xi32>
    %and3A_676 = arith.constant 7 : i32
    %and3A_677 = vector.broadcast %and3A_676 : i32 to vector<16xi32>
    %and3A_678 = arith.andi %get3A_657, %and3A_677 : vector<16xi32>
    %shift_left3A_679 = arith.constant 7 : i32
    %shift_left3A_680 = vector.broadcast %shift_left3A_679 : i32 to vector<16xi32>
    %shift_left3A_681 = arith.shli %and3A_678, %shift_left3A_680 : vector<16xi32>
    %add3A_682 = arith.addi %add3A_675, %shift_left3A_681 : vector<16xi32>
    %and3A_683 = arith.constant 127 : i32
    %and3A_684 = vector.broadcast %and3A_683 : i32 to vector<16xi32>
    %and3A_685 = arith.andi %get3A_662, %and3A_684 : vector<16xi32>
    %add3A_686 = arith.addi %add3A_682, %and3A_685 : vector<16xi32>
    %swap3A_687 = arith.constant 2 : i32
    %swap3A_688 = arith.index_cast %swap3A_687 : i32 to index
    %swap3A_689 = arith.constant 0 : index
    %swap3A_690 = tpu.vector_load %arg6[%swap3A_688, %swap3A_689] {strides = array<i32>} : memref<4x128xi32, #tpu.memory_space<vmem>>, vector<1x16xi32>,
    %swap3A_691 = vector.shape_cast %swap3A_690 : vector<1x16xi32> to vector<16xi32>
    %swap3A_692 = vector.shape_cast %add3A_686 : vector<16xi32> to vector<1x16xi32>
    tpu.vector_store %arg6[%swap3A_688, %swap3A_689], %swap3A_692 {strides = array<i32>} : memref<4x128xi32, #tpu.memory_space<vmem>>, vector<1x16xi32>,
    %get3A_693 = arith.constant 0 : i32
    %get3A_694 = arith.index_cast %get3A_693 : i32 to index
    %get3A_695 = arith.constant 272 : index
    %get3A_696 = tpu.vector_load %arg5[%get3A_694, %get3A_695] {strides = array<i32>} : memref<2x512xi32, #tpu.memory_space<vmem>>, vector<1x16xi32>,
    %get3A_697 = vector.shape_cast %get3A_696 : vector<1x16xi32> to vector<16xi32>
    %get3A_698 = arith.constant 1 : i32
    %get3A_699 = arith.index_cast %get3A_698 : i32 to index
    %get3A_700 = arith.constant 272 : index
    %get3A_701 = tpu.vector_load %arg5[%get3A_699, %get3A_700] {strides = array<i32>} : memref<2x512xi32, #tpu.memory_space<vmem>>, vector<1x16xi32>,
    %get3A_702 = vector.shape_cast %get3A_701 : vector<1x16xi32> to vector<16xi32>
    %shift_right_logical3A_703 = arith.constant 3 : i32
    %shift_right_logical3A_704 = vector.broadcast %shift_right_logical3A_703 : i32 to vector<16xi32>
    %shift_right_logical3A_705 = arith.shrui %get3A_697, %shift_right_logical3A_704 : vector<16xi32>
    %mul3A_706 = arith.constant 8192 : i32
    %mul3A_707 = vector.broadcast %mul3A_706 : i32 to vector<16xi32>
    %mul3A_708 = arith.muli %shift_right_logical3A_705, %mul3A_707 : vector<16xi32>
    %shift_right_logical3A_709 = arith.constant 7 : i32
    %shift_right_logical3A_710 = vector.broadcast %shift_right_logical3A_709 : i32 to vector<16xi32>
    %shift_right_logical3A_711 = arith.shrui %get3A_702, %shift_right_logical3A_710 : vector<16xi32>
    %mul3A_712 = arith.constant 1024 : i32
    %mul3A_713 = vector.broadcast %mul3A_712 : i32 to vector<16xi32>
    %mul3A_714 = arith.muli %shift_right_logical3A_711, %mul3A_713 : vector<16xi32>
    %add3A_715 = arith.addi %mul3A_708, %mul3A_714 : vector<16xi32>
    %and3A_716 = arith.constant 7 : i32
    %and3A_717 = vector.broadcast %and3A_716 : i32 to vector<16xi32>
    %and3A_718 = arith.andi %get3A_697, %and3A_717 : vector<16xi32>
    %shift_left3A_719 = arith.constant 7 : i32
    %shift_left3A_720 = vector.broadcast %shift_left3A_719 : i32 to vector<16xi32>
    %shift_left3A_721 = arith.shli %and3A_718, %shift_left3A_720 : vector<16xi32>
    %add3A_722 = arith.addi %add3A_715, %shift_left3A_721 : vector<16xi32>
    %and3A_723 = arith.constant 127 : i32
    %and3A_724 = vector.broadcast %and3A_723 : i32 to vector<16xi32>
    %and3A_725 = arith.andi %get3A_702, %and3A_724 : vector<16xi32>
    %add3A_726 = arith.addi %add3A_722, %and3A_725 : vector<16xi32>
    %swap3A_727 = arith.constant 2 : i32
    %swap3A_728 = arith.index_cast %swap3A_727 : i32 to index
    %swap3A_729 = arith.constant 16 : index
    %swap3A_730 = tpu.vector_load %arg6[%swap3A_728, %swap3A_729] {strides = array<i32>} : memref<4x128xi32, #tpu.memory_space<vmem>>, vector<1x16xi32>,
    %swap3A_731 = vector.shape_cast %swap3A_730 : vector<1x16xi32> to vector<16xi32>
    %swap3A_732 = vector.shape_cast %add3A_726 : vector<16xi32> to vector<1x16xi32>
    tpu.vector_store %arg6[%swap3A_728, %swap3A_729], %swap3A_732 {strides = array<i32>} : memref<4x128xi32, #tpu.memory_space<vmem>>, vector<1x16xi32>,
    %get3A_733 = arith.constant 0 : i32
    %get3A_734 = arith.index_cast %get3A_733 : i32 to index
    %get3A_735 = arith.constant 288 : index
    %get3A_736 = tpu.vector_load %arg5[%get3A_734, %get3A_735] {strides = array<i32>} : memref<2x512xi32, #tpu.memory_space<vmem>>, vector<1x16xi32>,
    %get3A_737 = vector.shape_cast %get3A_736 : vector<1x16xi32> to vector<16xi32>
    %get3A_738 = arith.constant 1 : i32
    %get3A_739 = arith.index_cast %get3A_738 : i32 to index
    %get3A_740 = arith.constant 288 : index
    %get3A_741 = tpu.vector_load %arg5[%get3A_739, %get3A_740] {strides = array<i32>} : memref<2x512xi32, #tpu.memory_space<vmem>>, vector<1x16xi32>,
    %get3A_742 = vector.shape_cast %get3A_741 : vector<1x16xi32> to vector<16xi32>
    %shift_right_logical3A_743 = arith.constant 3 : i32
    %shift_right_logical3A_744 = vector.broadcast %shift_right_logical3A_743 : i32 to vector<16xi32>
    %shift_right_logical3A_745 = arith.shrui %get3A_737, %shift_right_logical3A_744 : vector<16xi32>
    %mul3A_746 = arith.constant 8192 : i32
    %mul3A_747 = vector.broadcast %mul3A_746 : i32 to vector<16xi32>
    %mul3A_748 = arith.muli %shift_right_logical3A_745, %mul3A_747 : vector<16xi32>
    %shift_right_logical3A_749 = arith.constant 7 : i32
    %shift_right_logical3A_750 = vector.broadcast %shift_right_logical3A_749 : i32 to vector<16xi32>
    %shift_right_logical3A_751 = arith.shrui %get3A_742, %shift_right_logical3A_750 : vector<16xi32>
    %mul3A_752 = arith.constant 1024 : i32
    %mul3A_753 = vector.broadcast %mul3A_752 : i32 to vector<16xi32>
    %mul3A_754 = arith.muli %shift_right_logical3A_751, %mul3A_753 : vector<16xi32>
    %add3A_755 = arith.addi %mul3A_748, %mul3A_754 : vector<16xi32>
    %and3A_756 = arith.constant 7 : i32
    %and3A_757 = vector.broadcast %and3A_756 : i32 to vector<16xi32>
    %and3A_758 = arith.andi %get3A_737, %and3A_757 : vector<16xi32>
    %shift_left3A_759 = arith.constant 7 : i32
    %shift_left3A_760 = vector.broadcast %shift_left3A_759 : i32 to vector<16xi32>
    %shift_left3A_761 = arith.shli %and3A_758, %shift_left3A_760 : vector<16xi32>
    %add3A_762 = arith.addi %add3A_755, %shift_left3A_761 : vector<16xi32>
    %and3A_763 = arith.constant 127 : i32
    %and3A_764 = vector.broadcast %and3A_763 : i32 to vector<16xi32>
    %and3A_765 = arith.andi %get3A_742, %and3A_764 : vector<16xi32>
    %add3A_766 = arith.addi %add3A_762, %and3A_765 : vector<16xi32>
    %swap3A_767 = arith.constant 2 : i32
    %swap3A_768 = arith.index_cast %swap3A_767 : i32 to index
    %swap3A_769 = arith.constant 32 : index
    %swap3A_770 = tpu.vector_load %arg6[%swap3A_768, %swap3A_769] {strides = array<i32>} : memref<4x128xi32, #tpu.memory_space<vmem>>, vector<1x16xi32>,
    %swap3A_771 = vector.shape_cast %swap3A_770 : vector<1x16xi32> to vector<16xi32>
    %swap3A_772 = vector.shape_cast %add3A_766 : vector<16xi32> to vector<1x16xi32>
    tpu.vector_store %arg6[%swap3A_768, %swap3A_769], %swap3A_772 {strides = array<i32>} : memref<4x128xi32, #tpu.memory_space<vmem>>, vector<1x16xi32>,
    %get3A_773 = arith.constant 0 : i32
    %get3A_774 = arith.index_cast %get3A_773 : i32 to index
    %get3A_775 = arith.constant 304 : index
    %get3A_776 = tpu.vector_load %arg5[%get3A_774, %get3A_775] {strides = array<i32>} : memref<2x512xi32, #tpu.memory_space<vmem>>, vector<1x16xi32>,
    %get3A_777 = vector.shape_cast %get3A_776 : vector<1x16xi32> to vector<16xi32>
    %get3A_778 = arith.constant 1 : i32
    %get3A_779 = arith.index_cast %get3A_778 : i32 to index
    %get3A_780 = arith.constant 304 : index
    %get3A_781 = tpu.vector_load %arg5[%get3A_779, %get3A_780] {strides = array<i32>} : memref<2x512xi32, #tpu.memory_space<vmem>>, vector<1x16xi32>,
    %get3A_782 = vector.shape_cast %get3A_781 : vector<1x16xi32> to vector<16xi32>
    %shift_right_logical3A_783 = arith.constant 3 : i32
    %shift_right_logical3A_784 = vector.broadcast %shift_right_logical3A_783 : i32 to vector<16xi32>
    %shift_right_logical3A_785 = arith.shrui %get3A_777, %shift_right_logical3A_784 : vector<16xi32>
    %mul3A_786 = arith.constant 8192 : i32
    %mul3A_787 = vector.broadcast %mul3A_786 : i32 to vector<16xi32>
    %mul3A_788 = arith.muli %shift_right_logical3A_785, %mul3A_787 : vector<16xi32>
    %shift_right_logical3A_789 = arith.constant 7 : i32
    %shift_right_logical3A_790 = vector.broadcast %shift_right_logical3A_789 : i32 to vector<16xi32>
    %shift_right_logical3A_791 = arith.shrui %get3A_782, %shift_right_logical3A_790 : vector<16xi32>
    %mul3A_792 = arith.constant 1024 : i32
    %mul3A_793 = vector.broadcast %mul3A_792 : i32 to vector<16xi32>
    %mul3A_794 = arith.muli %shift_right_logical3A_791, %mul3A_793 : vector<16xi32>
    %add3A_795 = arith.addi %mul3A_788, %mul3A_794 : vector<16xi32>
    %and3A_796 = arith.constant 7 : i32
    %and3A_797 = vector.broadcast %and3A_796 : i32 to vector<16xi32>
    %and3A_798 = arith.andi %get3A_777, %and3A_797 : vector<16xi32>
    %shift_left3A_799 = arith.constant 7 : i32
    %shift_left3A_800 = vector.broadcast %shift_left3A_799 : i32 to vector<16xi32>
    %shift_left3A_801 = arith.shli %and3A_798, %shift_left3A_800 : vector<16xi32>
    %add3A_802 = arith.addi %add3A_795, %shift_left3A_801 : vector<16xi32>
    %and3A_803 = arith.constant 127 : i32
    %and3A_804 = vector.broadcast %and3A_803 : i32 to vector<16xi32>
    %and3A_805 = arith.andi %get3A_782, %and3A_804 : vector<16xi32>
    %add3A_806 = arith.addi %add3A_802, %and3A_805 : vector<16xi32>
    %swap3A_807 = arith.constant 2 : i32
    %swap3A_808 = arith.index_cast %swap3A_807 : i32 to index
    %swap3A_809 = arith.constant 48 : index
    %swap3A_810 = tpu.vector_load %arg6[%swap3A_808, %swap3A_809] {strides = array<i32>} : memref<4x128xi32, #tpu.memory_space<vmem>>, vector<1x16xi32>,
    %swap3A_811 = vector.shape_cast %swap3A_810 : vector<1x16xi32> to vector<16xi32>
    %swap3A_812 = vector.shape_cast %add3A_806 : vector<16xi32> to vector<1x16xi32>
    tpu.vector_store %arg6[%swap3A_808, %swap3A_809], %swap3A_812 {strides = array<i32>} : memref<4x128xi32, #tpu.memory_space<vmem>>, vector<1x16xi32>,
    %get3A_813 = arith.constant 0 : i32
    %get3A_814 = arith.index_cast %get3A_813 : i32 to index
    %get3A_815 = arith.constant 320 : index
    %get3A_816 = tpu.vector_load %arg5[%get3A_814, %get3A_815] {strides = array<i32>} : memref<2x512xi32, #tpu.memory_space<vmem>>, vector<1x16xi32>,
    %get3A_817 = vector.shape_cast %get3A_816 : vector<1x16xi32> to vector<16xi32>
    %get3A_818 = arith.constant 1 : i32
    %get3A_819 = arith.index_cast %get3A_818 : i32 to index
    %get3A_820 = arith.constant 320 : index
    %get3A_821 = tpu.vector_load %arg5[%get3A_819, %get3A_820] {strides = array<i32>} : memref<2x512xi32, #tpu.memory_space<vmem>>, vector<1x16xi32>,
    %get3A_822 = vector.shape_cast %get3A_821 : vector<1x16xi32> to vector<16xi32>
    %shift_right_logical3A_823 = arith.constant 3 : i32
    %shift_right_logical3A_824 = vector.broadcast %shift_right_logical3A_823 : i32 to vector<16xi32>
    %shift_right_logical3A_825 = arith.shrui %get3A_817, %shift_right_logical3A_824 : vector<16xi32>
    %mul3A_826 = arith.constant 8192 : i32
    %mul3A_827 = vector.broadcast %mul3A_826 : i32 to vector<16xi32>
    %mul3A_828 = arith.muli %shift_right_logical3A_825, %mul3A_827 : vector<16xi32>
    %shift_right_logical3A_829 = arith.constant 7 : i32
    %shift_right_logical3A_830 = vector.broadcast %shift_right_logical3A_829 : i32 to vector<16xi32>
    %shift_right_logical3A_831 = arith.shrui %get3A_822, %shift_right_logical3A_830 : vector<16xi32>
    %mul3A_832 = arith.constant 1024 : i32
    %mul3A_833 = vector.broadcast %mul3A_832 : i32 to vector<16xi32>
    %mul3A_834 = arith.muli %shift_right_logical3A_831, %mul3A_833 : vector<16xi32>
    %add3A_835 = arith.addi %mul3A_828, %mul3A_834 : vector<16xi32>
    %and3A_836 = arith.constant 7 : i32
    %and3A_837 = vector.broadcast %and3A_836 : i32 to vector<16xi32>
    %and3A_838 = arith.andi %get3A_817, %and3A_837 : vector<16xi32>
    %shift_left3A_839 = arith.constant 7 : i32
    %shift_left3A_840 = vector.broadcast %shift_left3A_839 : i32 to vector<16xi32>
    %shift_left3A_841 = arith.shli %and3A_838, %shift_left3A_840 : vector<16xi32>
    %add3A_842 = arith.addi %add3A_835, %shift_left3A_841 : vector<16xi32>
    %and3A_843 = arith.constant 127 : i32
    %and3A_844 = vector.broadcast %and3A_843 : i32 to vector<16xi32>
    %and3A_845 = arith.andi %get3A_822, %and3A_844 : vector<16xi32>
    %add3A_846 = arith.addi %add3A_842, %and3A_845 : vector<16xi32>
    %swap3A_847 = arith.constant 2 : i32
    %swap3A_848 = arith.index_cast %swap3A_847 : i32 to index
    %swap3A_849 = arith.constant 64 : index
    %swap3A_850 = tpu.vector_load %arg6[%swap3A_848, %swap3A_849] {strides = array<i32>} : memref<4x128xi32, #tpu.memory_space<vmem>>, vector<1x16xi32>,
    %swap3A_851 = vector.shape_cast %swap3A_850 : vector<1x16xi32> to vector<16xi32>
    %swap3A_852 = vector.shape_cast %add3A_846 : vector<16xi32> to vector<1x16xi32>
    tpu.vector_store %arg6[%swap3A_848, %swap3A_849], %swap3A_852 {strides = array<i32>} : memref<4x128xi32, #tpu.memory_space<vmem>>, vector<1x16xi32>,
    %get3A_853 = arith.constant 0 : i32
    %get3A_854 = arith.index_cast %get3A_853 : i32 to index
    %get3A_855 = arith.constant 336 : index
    %get3A_856 = tpu.vector_load %arg5[%get3A_854, %get3A_855] {strides = array<i32>} : memref<2x512xi32, #tpu.memory_space<vmem>>, vector<1x16xi32>,
    %get3A_857 = vector.shape_cast %get3A_856 : vector<1x16xi32> to vector<16xi32>
    %get3A_858 = arith.constant 1 : i32
    %get3A_859 = arith.index_cast %get3A_858 : i32 to index
    %get3A_860 = arith.constant 336 : index
    %get3A_861 = tpu.vector_load %arg5[%get3A_859, %get3A_860] {strides = array<i32>} : memref<2x512xi32, #tpu.memory_space<vmem>>, vector<1x16xi32>,
    %get3A_862 = vector.shape_cast %get3A_861 : vector<1x16xi32> to vector<16xi32>
    %shift_right_logical3A_863 = arith.constant 3 : i32
    %shift_right_logical3A_864 = vector.broadcast %shift_right_logical3A_863 : i32 to vector<16xi32>
    %shift_right_logical3A_865 = arith.shrui %get3A_857, %shift_right_logical3A_864 : vector<16xi32>
    %mul3A_866 = arith.constant 8192 : i32
    %mul3A_867 = vector.broadcast %mul3A_866 : i32 to vector<16xi32>
    %mul3A_868 = arith.muli %shift_right_logical3A_865, %mul3A_867 : vector<16xi32>
    %shift_right_logical3A_869 = arith.constant 7 : i32
    %shift_right_logical3A_870 = vector.broadcast %shift_right_logical3A_869 : i32 to vector<16xi32>
    %shift_right_logical3A_871 = arith.shrui %get3A_862, %shift_right_logical3A_870 : vector<16xi32>
    %mul3A_872 = arith.constant 1024 : i32
    %mul3A_873 = vector.broadcast %mul3A_872 : i32 to vector<16xi32>
    %mul3A_874 = arith.muli %shift_right_logical3A_871, %mul3A_873 : vector<16xi32>
    %add3A_875 = arith.addi %mul3A_868, %mul3A_874 : vector<16xi32>
    %and3A_876 = arith.constant 7 : i32
    %and3A_877 = vector.broadcast %and3A_876 : i32 to vector<16xi32>
    %and3A_878 = arith.andi %get3A_857, %and3A_877 : vector<16xi32>
    %shift_left3A_879 = arith.constant 7 : i32
    %shift_left3A_880 = vector.broadcast %shift_left3A_879 : i32 to vector<16xi32>
    %shift_left3A_881 = arith.shli %and3A_878, %shift_left3A_880 : vector<16xi32>
    %add3A_882 = arith.addi %add3A_875, %shift_left3A_881 : vector<16xi32>
    %and3A_883 = arith.constant 127 : i32
    %and3A_884 = vector.broadcast %and3A_883 : i32 to vector<16xi32>
    %and3A_885 = arith.andi %get3A_862, %and3A_884 : vector<16xi32>
    %add3A_886 = arith.addi %add3A_882, %and3A_885 : vector<16xi32>
    %swap3A_887 = arith.constant 2 : i32
    %swap3A_888 = arith.index_cast %swap3A_887 : i32 to index
    %swap3A_889 = arith.constant 80 : index
    %swap3A_890 = tpu.vector_load %arg6[%swap3A_888, %swap3A_889] {strides = array<i32>} : memref<4x128xi32, #tpu.memory_space<vmem>>, vector<1x16xi32>,
    %swap3A_891 = vector.shape_cast %swap3A_890 : vector<1x16xi32> to vector<16xi32>
    %swap3A_892 = vector.shape_cast %add3A_886 : vector<16xi32> to vector<1x16xi32>
    tpu.vector_store %arg6[%swap3A_888, %swap3A_889], %swap3A_892 {strides = array<i32>} : memref<4x128xi32, #tpu.memory_space<vmem>>, vector<1x16xi32>,
    %get3A_893 = arith.constant 0 : i32
    %get3A_894 = arith.index_cast %get3A_893 : i32 to index
    %get3A_895 = arith.constant 352 : index
    %get3A_896 = tpu.vector_load %arg5[%get3A_894, %get3A_895] {strides = array<i32>} : memref<2x512xi32, #tpu.memory_space<vmem>>, vector<1x16xi32>,
    %get3A_897 = vector.shape_cast %get3A_896 : vector<1x16xi32> to vector<16xi32>
    %get3A_898 = arith.constant 1 : i32
    %get3A_899 = arith.index_cast %get3A_898 : i32 to index
    %get3A_900 = arith.constant 352 : index
    %get3A_901 = tpu.vector_load %arg5[%get3A_899, %get3A_900] {strides = array<i32>} : memref<2x512xi32, #tpu.memory_space<vmem>>, vector<1x16xi32>,
    %get3A_902 = vector.shape_cast %get3A_901 : vector<1x16xi32> to vector<16xi32>
    %shift_right_logical3A_903 = arith.constant 3 : i32
    %shift_right_logical3A_904 = vector.broadcast %shift_right_logical3A_903 : i32 to vector<16xi32>
    %shift_right_logical3A_905 = arith.shrui %get3A_897, %shift_right_logical3A_904 : vector<16xi32>
    %mul3A_906 = arith.constant 8192 : i32
    %mul3A_907 = vector.broadcast %mul3A_906 : i32 to vector<16xi32>
    %mul3A_908 = arith.muli %shift_right_logical3A_905, %mul3A_907 : vector<16xi32>
    %shift_right_logical3A_909 = arith.constant 7 : i32
    %shift_right_logical3A_910 = vector.broadcast %shift_right_logical3A_909 : i32 to vector<16xi32>
    %shift_right_logical3A_911 = arith.shrui %get3A_902, %shift_right_logical3A_910 : vector<16xi32>
    %mul3A_912 = arith.constant 1024 : i32
    %mul3A_913 = vector.broadcast %mul3A_912 : i32 to vector<16xi32>
    %mul3A_914 = arith.muli %shift_right_logical3A_911, %mul3A_913 : vector<16xi32>
    %add3A_915 = arith.addi %mul3A_908, %mul3A_914 : vector<16xi32>
    %and3A_916 = arith.constant 7 : i32
    %and3A_917 = vector.broadcast %and3A_916 : i32 to vector<16xi32>
    %and3A_918 = arith.andi %get3A_897, %and3A_917 : vector<16xi32>
    %shift_left3A_919 = arith.constant 7 : i32
    %shift_left3A_920 = vector.broadcast %shift_left3A_919 : i32 to vector<16xi32>
    %shift_left3A_921 = arith.shli %and3A_918, %shift_left3A_920 : vector<16xi32>
    %add3A_922 = arith.addi %add3A_915, %shift_left3A_921 : vector<16xi32>
    %and3A_923 = arith.constant 127 : i32
    %and3A_924 = vector.broadcast %and3A_923 : i32 to vector<16xi32>
    %and3A_925 = arith.andi %get3A_902, %and3A_924 : vector<16xi32>
    %add3A_926 = arith.addi %add3A_922, %and3A_925 : vector<16xi32>
    %swap3A_927 = arith.constant 2 : i32
    %swap3A_928 = arith.index_cast %swap3A_927 : i32 to index
    %swap3A_929 = arith.constant 96 : index
    %swap3A_930 = tpu.vector_load %arg6[%swap3A_928, %swap3A_929] {strides = array<i32>} : memref<4x128xi32, #tpu.memory_space<vmem>>, vector<1x16xi32>,
    %swap3A_931 = vector.shape_cast %swap3A_930 : vector<1x16xi32> to vector<16xi32>
    %swap3A_932 = vector.shape_cast %add3A_926 : vector<16xi32> to vector<1x16xi32>
    tpu.vector_store %arg6[%swap3A_928, %swap3A_929], %swap3A_932 {strides = array<i32>} : memref<4x128xi32, #tpu.memory_space<vmem>>, vector<1x16xi32>,
    %get3A_933 = arith.constant 0 : i32
    %get3A_934 = arith.index_cast %get3A_933 : i32 to index
    %get3A_935 = arith.constant 368 : index
    %get3A_936 = tpu.vector_load %arg5[%get3A_934, %get3A_935] {strides = array<i32>} : memref<2x512xi32, #tpu.memory_space<vmem>>, vector<1x16xi32>,
    %get3A_937 = vector.shape_cast %get3A_936 : vector<1x16xi32> to vector<16xi32>
    %get3A_938 = arith.constant 1 : i32
    %get3A_939 = arith.index_cast %get3A_938 : i32 to index
    %get3A_940 = arith.constant 368 : index
    %get3A_941 = tpu.vector_load %arg5[%get3A_939, %get3A_940] {strides = array<i32>} : memref<2x512xi32, #tpu.memory_space<vmem>>, vector<1x16xi32>,
    %get3A_942 = vector.shape_cast %get3A_941 : vector<1x16xi32> to vector<16xi32>
    %shift_right_logical3A_943 = arith.constant 3 : i32
    %shift_right_logical3A_944 = vector.broadcast %shift_right_logical3A_943 : i32 to vector<16xi32>
    %shift_right_logical3A_945 = arith.shrui %get3A_937, %shift_right_logical3A_944 : vector<16xi32>
    %mul3A_946 = arith.constant 8192 : i32
    %mul3A_947 = vector.broadcast %mul3A_946 : i32 to vector<16xi32>
    %mul3A_948 = arith.muli %shift_right_logical3A_945, %mul3A_947 : vector<16xi32>
    %shift_right_logical3A_949 = arith.constant 7 : i32
    %shift_right_logical3A_950 = vector.broadcast %shift_right_logical3A_949 : i32 to vector<16xi32>
    %shift_right_logical3A_951 = arith.shrui %get3A_942, %shift_right_logical3A_950 : vector<16xi32>
    %mul3A_952 = arith.constant 1024 : i32
    %mul3A_953 = vector.broadcast %mul3A_952 : i32 to vector<16xi32>
    %mul3A_954 = arith.muli %shift_right_logical3A_951, %mul3A_953 : vector<16xi32>
    %add3A_955 = arith.addi %mul3A_948, %mul3A_954 : vector<16xi32>
    %and3A_956 = arith.constant 7 : i32
    %and3A_957 = vector.broadcast %and3A_956 : i32 to vector<16xi32>
    %and3A_958 = arith.andi %get3A_937, %and3A_957 : vector<16xi32>
    %shift_left3A_959 = arith.constant 7 : i32
    %shift_left3A_960 = vector.broadcast %shift_left3A_959 : i32 to vector<16xi32>
    %shift_left3A_961 = arith.shli %and3A_958, %shift_left3A_960 : vector<16xi32>
    %add3A_962 = arith.addi %add3A_955, %shift_left3A_961 : vector<16xi32>
    %and3A_963 = arith.constant 127 : i32
    %and3A_964 = vector.broadcast %and3A_963 : i32 to vector<16xi32>
    %and3A_965 = arith.andi %get3A_942, %and3A_964 : vector<16xi32>
    %add3A_966 = arith.addi %add3A_962, %and3A_965 : vector<16xi32>
    %swap3A_967 = arith.constant 2 : i32
    %swap3A_968 = arith.index_cast %swap3A_967 : i32 to index
    %swap3A_969 = arith.constant 112 : index
    %swap3A_970 = tpu.vector_load %arg6[%swap3A_968, %swap3A_969] {strides = array<i32>} : memref<4x128xi32, #tpu.memory_space<vmem>>, vector<1x16xi32>,
    %swap3A_971 = vector.shape_cast %swap3A_970 : vector<1x16xi32> to vector<16xi32>
    %swap3A_972 = vector.shape_cast %add3A_966 : vector<16xi32> to vector<1x16xi32>
    tpu.vector_store %arg6[%swap3A_968, %swap3A_969], %swap3A_972 {strides = array<i32>} : memref<4x128xi32, #tpu.memory_space<vmem>>, vector<1x16xi32>,
    %dma_start3A_973 = arith.constant 2 : i32
    %dma_start3A_974 = arith.constant 256 : i32
    %dma_start3A_975 = tpu.memref_slice %arg7[%dma_start3A_974] : memref<512xf32, #tpu.memory_space<vmem>> -> memref<128xf32, #tpu.memory_space<vmem>>
    %dma_start3A_976 = arith.constant 0 : i32
    %dma_start3A_977 = tpu.memref_slice %arg6[%dma_start3A_973, %dma_start3A_976] : memref<4x128xi32, #tpu.memory_space<vmem>> -> memref<1x128xi32, #tpu.memory_space<vmem>>
    %dma_start3A_978 = tpu.memref_squeeze %dma_start3A_977 : memref<1x128xi32, #tpu.memory_space<vmem>> -> memref<128xi32, #tpu.memory_space<vmem>>
    %dma_start3A_979 = arith.constant 0 : i32
    %dma_start3A_980 = tpu.memref_slice %arg3[%dma_start3A_979] : memref<1024000xf32, #tpu.memory_space<hbm>> -> memref<1024000xf32, #tpu.memory_space<hbm>>
    tpu.enqueue_indirect_dma source(%dma_start3A_980 : memref<1024000xf32, #tpu.memory_space<hbm>>) target(%dma_start3A_975 : memref<128xf32, #tpu.memory_space<vmem>>) offsets(%dma_start3A_978 : memref<128xi32, #tpu.memory_space<vmem>>) semaphore(%arg8 : memref<!tpu.dma_semaphore, #tpu.memory_space<semaphore_mem>>)
    %get3A_981 = arith.constant 0 : i32
    %get3A_982 = arith.index_cast %get3A_981 : i32 to index
    %get3A_983 = arith.constant 384 : index
    %get3A_984 = tpu.vector_load %arg5[%get3A_982, %get3A_983] {strides = array<i32>} : memref<2x512xi32, #tpu.memory_space<vmem>>, vector<1x16xi32>,
    %get3A_985 = vector.shape_cast %get3A_984 : vector<1x16xi32> to vector<16xi32>
    %get3A_986 = arith.constant 1 : i32
    %get3A_987 = arith.index_cast %get3A_986 : i32 to index
    %get3A_988 = arith.constant 384 : index
    %get3A_989 = tpu.vector_load %arg5[%get3A_987, %get3A_988] {strides = array<i32>} : memref<2x512xi32, #tpu.memory_space<vmem>>, vector<1x16xi32>,
    %get3A_990 = vector.shape_cast %get3A_989 : vector<1x16xi32> to vector<16xi32>
    %shift_right_logical3A_991 = arith.constant 3 : i32
    %shift_right_logical3A_992 = vector.broadcast %shift_right_logical3A_991 : i32 to vector<16xi32>
    %shift_right_logical3A_993 = arith.shrui %get3A_985, %shift_right_logical3A_992 : vector<16xi32>
    %mul3A_994 = arith.constant 8192 : i32
    %mul3A_995 = vector.broadcast %mul3A_994 : i32 to vector<16xi32>
    %mul3A_996 = arith.muli %shift_right_logical3A_993, %mul3A_995 : vector<16xi32>
    %shift_right_logical3A_997 = arith.constant 7 : i32
    %shift_right_logical3A_998 = vector.broadcast %shift_right_logical3A_997 : i32 to vector<16xi32>
    %shift_right_logical3A_999 = arith.shrui %get3A_990, %shift_right_logical3A_998 : vector<16xi32>
    %mul3A_1000 = arith.constant 1024 : i32
    %mul3A_1001 = vector.broadcast %mul3A_1000 : i32 to vector<16xi32>
    %mul3A_1002 = arith.muli %shift_right_logical3A_999, %mul3A_1001 : vector<16xi32>
    %add3A_1003 = arith.addi %mul3A_996, %mul3A_1002 : vector<16xi32>
    %and3A_1004 = arith.constant 7 : i32
    %and3A_1005 = vector.broadcast %and3A_1004 : i32 to vector<16xi32>
    %and3A_1006 = arith.andi %get3A_985, %and3A_1005 : vector<16xi32>
    %shift_left3A_1007 = arith.constant 7 : i32
    %shift_left3A_1008 = vector.broadcast %shift_left3A_1007 : i32 to vector<16xi32>
    %shift_left3A_1009 = arith.shli %and3A_1006, %shift_left3A_1008 : vector<16xi32>
    %add3A_1010 = arith.addi %add3A_1003, %shift_left3A_1009 : vector<16xi32>
    %and3A_1011 = arith.constant 127 : i32
    %and3A_1012 = vector.broadcast %and3A_1011 : i32 to vector<16xi32>
    %and3A_1013 = arith.andi %get3A_990, %and3A_1012 : vector<16xi32>
    %add3A_1014 = arith.addi %add3A_1010, %and3A_1013 : vector<16xi32>
    %swap3A_1015 = arith.constant 3 : i32
    %swap3A_1016 = arith.index_cast %swap3A_1015 : i32 to index
    %swap3A_1017 = arith.constant 0 : index
    %swap3A_1018 = tpu.vector_load %arg6[%swap3A_1016, %swap3A_1017] {strides = array<i32>} : memref<4x128xi32, #tpu.memory_space<vmem>>, vector<1x16xi32>,
    %swap3A_1019 = vector.shape_cast %swap3A_1018 : vector<1x16xi32> to vector<16xi32>
    %swap3A_1020 = vector.shape_cast %add3A_1014 : vector<16xi32> to vector<1x16xi32>
    tpu.vector_store %arg6[%swap3A_1016, %swap3A_1017], %swap3A_1020 {strides = array<i32>} : memref<4x128xi32, #tpu.memory_space<vmem>>, vector<1x16xi32>,
    %get3A_1021 = arith.constant 0 : i32
    %get3A_1022 = arith.index_cast %get3A_1021 : i32 to index
    %get3A_1023 = arith.constant 400 : index
    %get3A_1024 = tpu.vector_load %arg5[%get3A_1022, %get3A_1023] {strides = array<i32>} : memref<2x512xi32, #tpu.memory_space<vmem>>, vector<1x16xi32>,
    %get3A_1025 = vector.shape_cast %get3A_1024 : vector<1x16xi32> to vector<16xi32>
    %get3A_1026 = arith.constant 1 : i32
    %get3A_1027 = arith.index_cast %get3A_1026 : i32 to index
    %get3A_1028 = arith.constant 400 : index
    %get3A_1029 = tpu.vector_load %arg5[%get3A_1027, %get3A_1028] {strides = array<i32>} : memref<2x512xi32, #tpu.memory_space<vmem>>, vector<1x16xi32>,
    %get3A_1030 = vector.shape_cast %get3A_1029 : vector<1x16xi32> to vector<16xi32>
    %shift_right_logical3A_1031 = arith.constant 3 : i32
    %shift_right_logical3A_1032 = vector.broadcast %shift_right_logical3A_1031 : i32 to vector<16xi32>
    %shift_right_logical3A_1033 = arith.shrui %get3A_1025, %shift_right_logical3A_1032 : vector<16xi32>
    %mul3A_1034 = arith.constant 8192 : i32
    %mul3A_1035 = vector.broadcast %mul3A_1034 : i32 to vector<16xi32>
    %mul3A_1036 = arith.muli %shift_right_logical3A_1033, %mul3A_1035 : vector<16xi32>
    %shift_right_logical3A_1037 = arith.constant 7 : i32
    %shift_right_logical3A_1038 = vector.broadcast %shift_right_logical3A_1037 : i32 to vector<16xi32>
    %shift_right_logical3A_1039 = arith.shrui %get3A_1030, %shift_right_logical3A_1038 : vector<16xi32>
    %mul3A_1040 = arith.constant 1024 : i32
    %mul3A_1041 = vector.broadcast %mul3A_1040 : i32 to vector<16xi32>
    %mul3A_1042 = arith.muli %shift_right_logical3A_1039, %mul3A_1041 : vector<16xi32>
    %add3A_1043 = arith.addi %mul3A_1036, %mul3A_1042 : vector<16xi32>
    %and3A_1044 = arith.constant 7 : i32
    %and3A_1045 = vector.broadcast %and3A_1044 : i32 to vector<16xi32>
    %and3A_1046 = arith.andi %get3A_1025, %and3A_1045 : vector<16xi32>
    %shift_left3A_1047 = arith.constant 7 : i32
    %shift_left3A_1048 = vector.broadcast %shift_left3A_1047 : i32 to vector<16xi32>
    %shift_left3A_1049 = arith.shli %and3A_1046, %shift_left3A_1048 : vector<16xi32>
    %add3A_1050 = arith.addi %add3A_1043, %shift_left3A_1049 : vector<16xi32>
    %and3A_1051 = arith.constant 127 : i32
    %and3A_1052 = vector.broadcast %and3A_1051 : i32 to vector<16xi32>
    %and3A_1053 = arith.andi %get3A_1030, %and3A_1052 : vector<16xi32>
    %add3A_1054 = arith.addi %add3A_1050, %and3A_1053 : vector<16xi32>
    %swap3A_1055 = arith.constant 3 : i32
    %swap3A_1056 = arith.index_cast %swap3A_1055 : i32 to index
    %swap3A_1057 = arith.constant 16 : index
    %swap3A_1058 = tpu.vector_load %arg6[%swap3A_1056, %swap3A_1057] {strides = array<i32>} : memref<4x128xi32, #tpu.memory_space<vmem>>, vector<1x16xi32>,
    %swap3A_1059 = vector.shape_cast %swap3A_1058 : vector<1x16xi32> to vector<16xi32>
    %swap3A_1060 = vector.shape_cast %add3A_1054 : vector<16xi32> to vector<1x16xi32>
    tpu.vector_store %arg6[%swap3A_1056, %swap3A_1057], %swap3A_1060 {strides = array<i32>} : memref<4x128xi32, #tpu.memory_space<vmem>>, vector<1x16xi32>,
    %get3A_1061 = arith.constant 0 : i32
    %get3A_1062 = arith.index_cast %get3A_1061 : i32 to index
    %get3A_1063 = arith.constant 416 : index
    %get3A_1064 = tpu.vector_load %arg5[%get3A_1062, %get3A_1063] {strides = array<i32>} : memref<2x512xi32, #tpu.memory_space<vmem>>, vector<1x16xi32>,
    %get3A_1065 = vector.shape_cast %get3A_1064 : vector<1x16xi32> to vector<16xi32>
    %get3A_1066 = arith.constant 1 : i32
    %get3A_1067 = arith.index_cast %get3A_1066 : i32 to index
    %get3A_1068 = arith.constant 416 : index
    %get3A_1069 = tpu.vector_load %arg5[%get3A_1067, %get3A_1068] {strides = array<i32>} : memref<2x512xi32, #tpu.memory_space<vmem>>, vector<1x16xi32>,
    %get3A_1070 = vector.shape_cast %get3A_1069 : vector<1x16xi32> to vector<16xi32>
    %shift_right_logical3A_1071 = arith.constant 3 : i32
    %shift_right_logical3A_1072 = vector.broadcast %shift_right_logical3A_1071 : i32 to vector<16xi32>
    %shift_right_logical3A_1073 = arith.shrui %get3A_1065, %shift_right_logical3A_1072 : vector<16xi32>
    %mul3A_1074 = arith.constant 8192 : i32
    %mul3A_1075 = vector.broadcast %mul3A_1074 : i32 to vector<16xi32>
    %mul3A_1076 = arith.muli %shift_right_logical3A_1073, %mul3A_1075 : vector<16xi32>
    %shift_right_logical3A_1077 = arith.constant 7 : i32
    %shift_right_logical3A_1078 = vector.broadcast %shift_right_logical3A_1077 : i32 to vector<16xi32>
    %shift_right_logical3A_1079 = arith.shrui %get3A_1070, %shift_right_logical3A_1078 : vector<16xi32>
    %mul3A_1080 = arith.constant 1024 : i32
    %mul3A_1081 = vector.broadcast %mul3A_1080 : i32 to vector<16xi32>
    %mul3A_1082 = arith.muli %shift_right_logical3A_1079, %mul3A_1081 : vector<16xi32>
    %add3A_1083 = arith.addi %mul3A_1076, %mul3A_1082 : vector<16xi32>
    %and3A_1084 = arith.constant 7 : i32
    %and3A_1085 = vector.broadcast %and3A_1084 : i32 to vector<16xi32>
    %and3A_1086 = arith.andi %get3A_1065, %and3A_1085 : vector<16xi32>
    %shift_left3A_1087 = arith.constant 7 : i32
    %shift_left3A_1088 = vector.broadcast %shift_left3A_1087 : i32 to vector<16xi32>
    %shift_left3A_1089 = arith.shli %and3A_1086, %shift_left3A_1088 : vector<16xi32>
    %add3A_1090 = arith.addi %add3A_1083, %shift_left3A_1089 : vector<16xi32>
    %and3A_1091 = arith.constant 127 : i32
    %and3A_1092 = vector.broadcast %and3A_1091 : i32 to vector<16xi32>
    %and3A_1093 = arith.andi %get3A_1070, %and3A_1092 : vector<16xi32>
    %add3A_1094 = arith.addi %add3A_1090, %and3A_1093 : vector<16xi32>
    %swap3A_1095 = arith.constant 3 : i32
    %swap3A_1096 = arith.index_cast %swap3A_1095 : i32 to index
    %swap3A_1097 = arith.constant 32 : index
    %swap3A_1098 = tpu.vector_load %arg6[%swap3A_1096, %swap3A_1097] {strides = array<i32>} : memref<4x128xi32, #tpu.memory_space<vmem>>, vector<1x16xi32>,
    %swap3A_1099 = vector.shape_cast %swap3A_1098 : vector<1x16xi32> to vector<16xi32>
    %swap3A_1100 = vector.shape_cast %add3A_1094 : vector<16xi32> to vector<1x16xi32>
    tpu.vector_store %arg6[%swap3A_1096, %swap3A_1097], %swap3A_1100 {strides = array<i32>} : memref<4x128xi32, #tpu.memory_space<vmem>>, vector<1x16xi32>,
    %get3A_1101 = arith.constant 0 : i32
    %get3A_1102 = arith.index_cast %get3A_1101 : i32 to index
    %get3A_1103 = arith.constant 432 : index
    %get3A_1104 = tpu.vector_load %arg5[%get3A_1102, %get3A_1103] {strides = array<i32>} : memref<2x512xi32, #tpu.memory_space<vmem>>, vector<1x16xi32>,
    %get3A_1105 = vector.shape_cast %get3A_1104 : vector<1x16xi32> to vector<16xi32>
    %get3A_1106 = arith.constant 1 : i32
    %get3A_1107 = arith.index_cast %get3A_1106 : i32 to index
    %get3A_1108 = arith.constant 432 : index
    %get3A_1109 = tpu.vector_load %arg5[%get3A_1107, %get3A_1108] {strides = array<i32>} : memref<2x512xi32, #tpu.memory_space<vmem>>, vector<1x16xi32>,
    %get3A_1110 = vector.shape_cast %get3A_1109 : vector<1x16xi32> to vector<16xi32>
    %shift_right_logical3A_1111 = arith.constant 3 : i32
    %shift_right_logical3A_1112 = vector.broadcast %shift_right_logical3A_1111 : i32 to vector<16xi32>
    %shift_right_logical3A_1113 = arith.shrui %get3A_1105, %shift_right_logical3A_1112 : vector<16xi32>
    %mul3A_1114 = arith.constant 8192 : i32
    %mul3A_1115 = vector.broadcast %mul3A_1114 : i32 to vector<16xi32>
    %mul3A_1116 = arith.muli %shift_right_logical3A_1113, %mul3A_1115 : vector<16xi32>
    %shift_right_logical3A_1117 = arith.constant 7 : i32
    %shift_right_logical3A_1118 = vector.broadcast %shift_right_logical3A_1117 : i32 to vector<16xi32>
    %shift_right_logical3A_1119 = arith.shrui %get3A_1110, %shift_right_logical3A_1118 : vector<16xi32>
    %mul3A_1120 = arith.constant 1024 : i32
    %mul3A_1121 = vector.broadcast %mul3A_1120 : i32 to vector<16xi32>
    %mul3A_1122 = arith.muli %shift_right_logical3A_1119, %mul3A_1121 : vector<16xi32>
    %add3A_1123 = arith.addi %mul3A_1116, %mul3A_1122 : vector<16xi32>
    %and3A_1124 = arith.constant 7 : i32
    %and3A_1125 = vector.broadcast %and3A_1124 : i32 to vector<16xi32>
    %and3A_1126 = arith.andi %get3A_1105, %and3A_1125 : vector<16xi32>
    %shift_left3A_1127 = arith.constant 7 : i32
    %shift_left3A_1128 = vector.broadcast %shift_left3A_1127 : i32 to vector<16xi32>
    %shift_left3A_1129 = arith.shli %and3A_1126, %shift_left3A_1128 : vector<16xi32>
    %add3A_1130 = arith.addi %add3A_1123, %shift_left3A_1129 : vector<16xi32>
    %and3A_1131 = arith.constant 127 : i32
    %and3A_1132 = vector.broadcast %and3A_1131 : i32 to vector<16xi32>
    %and3A_1133 = arith.andi %get3A_1110, %and3A_1132 : vector<16xi32>
    %add3A_1134 = arith.addi %add3A_1130, %and3A_1133 : vector<16xi32>
    %swap3A_1135 = arith.constant 3 : i32
    %swap3A_1136 = arith.index_cast %swap3A_1135 : i32 to index
    %swap3A_1137 = arith.constant 48 : index
    %swap3A_1138 = tpu.vector_load %arg6[%swap3A_1136, %swap3A_1137] {strides = array<i32>} : memref<4x128xi32, #tpu.memory_space<vmem>>, vector<1x16xi32>,
    %swap3A_1139 = vector.shape_cast %swap3A_1138 : vector<1x16xi32> to vector<16xi32>
    %swap3A_1140 = vector.shape_cast %add3A_1134 : vector<16xi32> to vector<1x16xi32>
    tpu.vector_store %arg6[%swap3A_1136, %swap3A_1137], %swap3A_1140 {strides = array<i32>} : memref<4x128xi32, #tpu.memory_space<vmem>>, vector<1x16xi32>,
    %get3A_1141 = arith.constant 0 : i32
    %get3A_1142 = arith.index_cast %get3A_1141 : i32 to index
    %get3A_1143 = arith.constant 448 : index
    %get3A_1144 = tpu.vector_load %arg5[%get3A_1142, %get3A_1143] {strides = array<i32>} : memref<2x512xi32, #tpu.memory_space<vmem>>, vector<1x16xi32>,
    %get3A_1145 = vector.shape_cast %get3A_1144 : vector<1x16xi32> to vector<16xi32>
    %get3A_1146 = arith.constant 1 : i32
    %get3A_1147 = arith.index_cast %get3A_1146 : i32 to index
    %get3A_1148 = arith.constant 448 : index
    %get3A_1149 = tpu.vector_load %arg5[%get3A_1147, %get3A_1148] {strides = array<i32>} : memref<2x512xi32, #tpu.memory_space<vmem>>, vector<1x16xi32>,
    %get3A_1150 = vector.shape_cast %get3A_1149 : vector<1x16xi32> to vector<16xi32>
    %shift_right_logical3A_1151 = arith.constant 3 : i32
    %shift_right_logical3A_1152 = vector.broadcast %shift_right_logical3A_1151 : i32 to vector<16xi32>
    %shift_right_logical3A_1153 = arith.shrui %get3A_1145, %shift_right_logical3A_1152 : vector<16xi32>
    %mul3A_1154 = arith.constant 8192 : i32
    %mul3A_1155 = vector.broadcast %mul3A_1154 : i32 to vector<16xi32>
    %mul3A_1156 = arith.muli %shift_right_logical3A_1153, %mul3A_1155 : vector<16xi32>
    %shift_right_logical3A_1157 = arith.constant 7 : i32
    %shift_right_logical3A_1158 = vector.broadcast %shift_right_logical3A_1157 : i32 to vector<16xi32>
    %shift_right_logical3A_1159 = arith.shrui %get3A_1150, %shift_right_logical3A_1158 : vector<16xi32>
    %mul3A_1160 = arith.constant 1024 : i32
    %mul3A_1161 = vector.broadcast %mul3A_1160 : i32 to vector<16xi32>
    %mul3A_1162 = arith.muli %shift_right_logical3A_1159, %mul3A_1161 : vector<16xi32>
    %add3A_1163 = arith.addi %mul3A_1156, %mul3A_1162 : vector<16xi32>
    %and3A_1164 = arith.constant 7 : i32
    %and3A_1165 = vector.broadcast %and3A_1164 : i32 to vector<16xi32>
    %and3A_1166 = arith.andi %get3A_1145, %and3A_1165 : vector<16xi32>
    %shift_left3A_1167 = arith.constant 7 : i32
    %shift_left3A_1168 = vector.broadcast %shift_left3A_1167 : i32 to vector<16xi32>
    %shift_left3A_1169 = arith.shli %and3A_1166, %shift_left3A_1168 : vector<16xi32>
    %add3A_1170 = arith.addi %add3A_1163, %shift_left3A_1169 : vector<16xi32>
    %and3A_1171 = arith.constant 127 : i32
    %and3A_1172 = vector.broadcast %and3A_1171 : i32 to vector<16xi32>
    %and3A_1173 = arith.andi %get3A_1150, %and3A_1172 : vector<16xi32>
    %add3A_1174 = arith.addi %add3A_1170, %and3A_1173 : vector<16xi32>
    %swap3A_1175 = arith.constant 3 : i32
    %swap3A_1176 = arith.index_cast %swap3A_1175 : i32 to index
    %swap3A_1177 = arith.constant 64 : index
    %swap3A_1178 = tpu.vector_load %arg6[%swap3A_1176, %swap3A_1177] {strides = array<i32>} : memref<4x128xi32, #tpu.memory_space<vmem>>, vector<1x16xi32>,
    %swap3A_1179 = vector.shape_cast %swap3A_1178 : vector<1x16xi32> to vector<16xi32>
    %swap3A_1180 = vector.shape_cast %add3A_1174 : vector<16xi32> to vector<1x16xi32>
    tpu.vector_store %arg6[%swap3A_1176, %swap3A_1177], %swap3A_1180 {strides = array<i32>} : memref<4x128xi32, #tpu.memory_space<vmem>>, vector<1x16xi32>,
    %get3A_1181 = arith.constant 0 : i32
    %get3A_1182 = arith.index_cast %get3A_1181 : i32 to index
    %get3A_1183 = arith.constant 464 : index
    %get3A_1184 = tpu.vector_load %arg5[%get3A_1182, %get3A_1183] {strides = array<i32>} : memref<2x512xi32, #tpu.memory_space<vmem>>, vector<1x16xi32>,
    %get3A_1185 = vector.shape_cast %get3A_1184 : vector<1x16xi32> to vector<16xi32>
    %get3A_1186 = arith.constant 1 : i32
    %get3A_1187 = arith.index_cast %get3A_1186 : i32 to index
    %get3A_1188 = arith.constant 464 : index
    %get3A_1189 = tpu.vector_load %arg5[%get3A_1187, %get3A_1188] {strides = array<i32>} : memref<2x512xi32, #tpu.memory_space<vmem>>, vector<1x16xi32>,
    %get3A_1190 = vector.shape_cast %get3A_1189 : vector<1x16xi32> to vector<16xi32>
    %shift_right_logical3A_1191 = arith.constant 3 : i32
    %shift_right_logical3A_1192 = vector.broadcast %shift_right_logical3A_1191 : i32 to vector<16xi32>
    %shift_right_logical3A_1193 = arith.shrui %get3A_1185, %shift_right_logical3A_1192 : vector<16xi32>
    %mul3A_1194 = arith.constant 8192 : i32
    %mul3A_1195 = vector.broadcast %mul3A_1194 : i32 to vector<16xi32>
    %mul3A_1196 = arith.muli %shift_right_logical3A_1193, %mul3A_1195 : vector<16xi32>
    %shift_right_logical3A_1197 = arith.constant 7 : i32
    %shift_right_logical3A_1198 = vector.broadcast %shift_right_logical3A_1197 : i32 to vector<16xi32>
    %shift_right_logical3A_1199 = arith.shrui %get3A_1190, %shift_right_logical3A_1198 : vector<16xi32>
    %mul3A_1200 = arith.constant 1024 : i32
    %mul3A_1201 = vector.broadcast %mul3A_1200 : i32 to vector<16xi32>
    %mul3A_1202 = arith.muli %shift_right_logical3A_1199, %mul3A_1201 : vector<16xi32>
    %add3A_1203 = arith.addi %mul3A_1196, %mul3A_1202 : vector<16xi32>
    %and3A_1204 = arith.constant 7 : i32
    %and3A_1205 = vector.broadcast %and3A_1204 : i32 to vector<16xi32>
    %and3A_1206 = arith.andi %get3A_1185, %and3A_1205 : vector<16xi32>
    %shift_left3A_1207 = arith.constant 7 : i32
    %shift_left3A_1208 = vector.broadcast %shift_left3A_1207 : i32 to vector<16xi32>
    %shift_left3A_1209 = arith.shli %and3A_1206, %shift_left3A_1208 : vector<16xi32>
    %add3A_1210 = arith.addi %add3A_1203, %shift_left3A_1209 : vector<16xi32>
    %and3A_1211 = arith.constant 127 : i32
    %and3A_1212 = vector.broadcast %and3A_1211 : i32 to vector<16xi32>
    %and3A_1213 = arith.andi %get3A_1190, %and3A_1212 : vector<16xi32>
    %add3A_1214 = arith.addi %add3A_1210, %and3A_1213 : vector<16xi32>
    %swap3A_1215 = arith.constant 3 : i32
    %swap3A_1216 = arith.index_cast %swap3A_1215 : i32 to index
    %swap3A_1217 = arith.constant 80 : index
    %swap3A_1218 = tpu.vector_load %arg6[%swap3A_1216, %swap3A_1217] {strides = array<i32>} : memref<4x128xi32, #tpu.memory_space<vmem>>, vector<1x16xi32>,
    %swap3A_1219 = vector.shape_cast %swap3A_1218 : vector<1x16xi32> to vector<16xi32>
    %swap3A_1220 = vector.shape_cast %add3A_1214 : vector<16xi32> to vector<1x16xi32>
    tpu.vector_store %arg6[%swap3A_1216, %swap3A_1217], %swap3A_1220 {strides = array<i32>} : memref<4x128xi32, #tpu.memory_space<vmem>>, vector<1x16xi32>,
    %get3A_1221 = arith.constant 0 : i32
    %get3A_1222 = arith.index_cast %get3A_1221 : i32 to index
    %get3A_1223 = arith.constant 480 : index
    %get3A_1224 = tpu.vector_load %arg5[%get3A_1222, %get3A_1223] {strides = array<i32>} : memref<2x512xi32, #tpu.memory_space<vmem>>, vector<1x16xi32>,
    %get3A_1225 = vector.shape_cast %get3A_1224 : vector<1x16xi32> to vector<16xi32>
    %get3A_1226 = arith.constant 1 : i32
    %get3A_1227 = arith.index_cast %get3A_1226 : i32 to index
    %get3A_1228 = arith.constant 480 : index
    %get3A_1229 = tpu.vector_load %arg5[%get3A_1227, %get3A_1228] {strides = array<i32>} : memref<2x512xi32, #tpu.memory_space<vmem>>, vector<1x16xi32>,
    %get3A_1230 = vector.shape_cast %get3A_1229 : vector<1x16xi32> to vector<16xi32>
    %shift_right_logical3A_1231 = arith.constant 3 : i32
    %shift_right_logical3A_1232 = vector.broadcast %shift_right_logical3A_1231 : i32 to vector<16xi32>
    %shift_right_logical3A_1233 = arith.shrui %get3A_1225, %shift_right_logical3A_1232 : vector<16xi32>
    %mul3A_1234 = arith.constant 8192 : i32
    %mul3A_1235 = vector.broadcast %mul3A_1234 : i32 to vector<16xi32>
    %mul3A_1236 = arith.muli %shift_right_logical3A_1233, %mul3A_1235 : vector<16xi32>
    %shift_right_logical3A_1237 = arith.constant 7 : i32
    %shift_right_logical3A_1238 = vector.broadcast %shift_right_logical3A_1237 : i32 to vector<16xi32>
    %shift_right_logical3A_1239 = arith.shrui %get3A_1230, %shift_right_logical3A_1238 : vector<16xi32>
    %mul3A_1240 = arith.constant 1024 : i32
    %mul3A_1241 = vector.broadcast %mul3A_1240 : i32 to vector<16xi32>
    %mul3A_1242 = arith.muli %shift_right_logical3A_1239, %mul3A_1241 : vector<16xi32>
    %add3A_1243 = arith.addi %mul3A_1236, %mul3A_1242 : vector<16xi32>
    %and3A_1244 = arith.constant 7 : i32
    %and3A_1245 = vector.broadcast %and3A_1244 : i32 to vector<16xi32>
    %and3A_1246 = arith.andi %get3A_1225, %and3A_1245 : vector<16xi32>
    %shift_left3A_1247 = arith.constant 7 : i32
    %shift_left3A_1248 = vector.broadcast %shift_left3A_1247 : i32 to vector<16xi32>
    %shift_left3A_1249 = arith.shli %and3A_1246, %shift_left3A_1248 : vector<16xi32>
    %add3A_1250 = arith.addi %add3A_1243, %shift_left3A_1249 : vector<16xi32>
    %and3A_1251 = arith.constant 127 : i32
    %and3A_1252 = vector.broadcast %and3A_1251 : i32 to vector<16xi32>
    %and3A_1253 = arith.andi %get3A_1230, %and3A_1252 : vector<16xi32>
    %add3A_1254 = arith.addi %add3A_1250, %and3A_1253 : vector<16xi32>
    %swap3A_1255 = arith.constant 3 : i32
    %swap3A_1256 = arith.index_cast %swap3A_1255 : i32 to index
    %swap3A_1257 = arith.constant 96 : index
    %swap3A_1258 = tpu.vector_load %arg6[%swap3A_1256, %swap3A_1257] {strides = array<i32>} : memref<4x128xi32, #tpu.memory_space<vmem>>, vector<1x16xi32>,
    %swap3A_1259 = vector.shape_cast %swap3A_1258 : vector<1x16xi32> to vector<16xi32>
    %swap3A_1260 = vector.shape_cast %add3A_1254 : vector<16xi32> to vector<1x16xi32>
    tpu.vector_store %arg6[%swap3A_1256, %swap3A_1257], %swap3A_1260 {strides = array<i32>} : memref<4x128xi32, #tpu.memory_space<vmem>>, vector<1x16xi32>,
    %get3A_1261 = arith.constant 0 : i32
    %get3A_1262 = arith.index_cast %get3A_1261 : i32 to index
    %get3A_1263 = arith.constant 496 : index
    %get3A_1264 = tpu.vector_load %arg5[%get3A_1262, %get3A_1263] {strides = array<i32>} : memref<2x512xi32, #tpu.memory_space<vmem>>, vector<1x16xi32>,
    %get3A_1265 = vector.shape_cast %get3A_1264 : vector<1x16xi32> to vector<16xi32>
    %get3A_1266 = arith.constant 1 : i32
    %get3A_1267 = arith.index_cast %get3A_1266 : i32 to index
    %get3A_1268 = arith.constant 496 : index
    %get3A_1269 = tpu.vector_load %arg5[%get3A_1267, %get3A_1268] {strides = array<i32>} : memref<2x512xi32, #tpu.memory_space<vmem>>, vector<1x16xi32>,
    %get3A_1270 = vector.shape_cast %get3A_1269 : vector<1x16xi32> to vector<16xi32>
    %shift_right_logical3A_1271 = arith.constant 3 : i32
    %shift_right_logical3A_1272 = vector.broadcast %shift_right_logical3A_1271 : i32 to vector<16xi32>
    %shift_right_logical3A_1273 = arith.shrui %get3A_1265, %shift_right_logical3A_1272 : vector<16xi32>
    %mul3A_1274 = arith.constant 8192 : i32
    %mul3A_1275 = vector.broadcast %mul3A_1274 : i32 to vector<16xi32>
    %mul3A_1276 = arith.muli %shift_right_logical3A_1273, %mul3A_1275 : vector<16xi32>
    %shift_right_logical3A_1277 = arith.constant 7 : i32
    %shift_right_logical3A_1278 = vector.broadcast %shift_right_logical3A_1277 : i32 to vector<16xi32>
    %shift_right_logical3A_1279 = arith.shrui %get3A_1270, %shift_right_logical3A_1278 : vector<16xi32>
    %mul3A_1280 = arith.constant 1024 : i32
    %mul3A_1281 = vector.broadcast %mul3A_1280 : i32 to vector<16xi32>
    %mul3A_1282 = arith.muli %shift_right_logical3A_1279, %mul3A_1281 : vector<16xi32>
    %add3A_1283 = arith.addi %mul3A_1276, %mul3A_1282 : vector<16xi32>
    %and3A_1284 = arith.constant 7 : i32
    %and3A_1285 = vector.broadcast %and3A_1284 : i32 to vector<16xi32>
    %and3A_1286 = arith.andi %get3A_1265, %and3A_1285 : vector<16xi32>
    %shift_left3A_1287 = arith.constant 7 : i32
    %shift_left3A_1288 = vector.broadcast %shift_left3A_1287 : i32 to vector<16xi32>
    %shift_left3A_1289 = arith.shli %and3A_1286, %shift_left3A_1288 : vector<16xi32>
    %add3A_1290 = arith.addi %add3A_1283, %shift_left3A_1289 : vector<16xi32>
    %and3A_1291 = arith.constant 127 : i32
    %and3A_1292 = vector.broadcast %and3A_1291 : i32 to vector<16xi32>
    %and3A_1293 = arith.andi %get3A_1270, %and3A_1292 : vector<16xi32>
    %add3A_1294 = arith.addi %add3A_1290, %and3A_1293 : vector<16xi32>
    %swap3A_1295 = arith.constant 3 : i32
    %swap3A_1296 = arith.index_cast %swap3A_1295 : i32 to index
    %swap3A_1297 = arith.constant 112 : index
    %swap3A_1298 = tpu.vector_load %arg6[%swap3A_1296, %swap3A_1297] {strides = array<i32>} : memref<4x128xi32, #tpu.memory_space<vmem>>, vector<1x16xi32>,
    %swap3A_1299 = vector.shape_cast %swap3A_1298 : vector<1x16xi32> to vector<16xi32>
    %swap3A_1300 = vector.shape_cast %add3A_1294 : vector<16xi32> to vector<1x16xi32>
    tpu.vector_store %arg6[%swap3A_1296, %swap3A_1297], %swap3A_1300 {strides = array<i32>} : memref<4x128xi32, #tpu.memory_space<vmem>>, vector<1x16xi32>,
    %dma_start3A_1301 = arith.constant 3 : i32
    %dma_start3A_1302 = arith.constant 384 : i32
    %dma_start3A_1303 = tpu.memref_slice %arg7[%dma_start3A_1302] : memref<512xf32, #tpu.memory_space<vmem>> -> memref<128xf32, #tpu.memory_space<vmem>>
    %dma_start3A_1304 = arith.constant 0 : i32
    %dma_start3A_1305 = tpu.memref_slice %arg6[%dma_start3A_1301, %dma_start3A_1304] : memref<4x128xi32, #tpu.memory_space<vmem>> -> memref<1x128xi32, #tpu.memory_space<vmem>>
    %dma_start3A_1306 = tpu.memref_squeeze %dma_start3A_1305 : memref<1x128xi32, #tpu.memory_space<vmem>> -> memref<128xi32, #tpu.memory_space<vmem>>
    %dma_start3A_1307 = arith.constant 0 : i32
    %dma_start3A_1308 = tpu.memref_slice %arg3[%dma_start3A_1307] : memref<1024000xf32, #tpu.memory_space<hbm>> -> memref<1024000xf32, #tpu.memory_space<hbm>>
    tpu.enqueue_indirect_dma source(%dma_start3A_1308 : memref<1024000xf32, #tpu.memory_space<hbm>>) target(%dma_start3A_1303 : memref<128xf32, #tpu.memory_space<vmem>>) offsets(%dma_start3A_1306 : memref<128xi32, #tpu.memory_space<vmem>>) semaphore(%arg8 : memref<!tpu.dma_semaphore, #tpu.memory_space<semaphore_mem>>)
    %dma_wait3A = arith.constant 0 : i32
    %dma_wait3A_1309 = arith.constant 0 : i32
    %dma_wait3A_1310 = tpu.memref_slice %arg7[%dma_wait3A_1309] : memref<512xf32, #tpu.memory_space<vmem>> -> memref<128xf32, #tpu.memory_space<vmem>>
    %dma_wait3A_1311 = arith.constant 0 : i32
    %dma_wait3A_1312 = tpu.memref_slice %arg6[%dma_wait3A, %dma_wait3A_1311] : memref<4x128xi32, #tpu.memory_space<vmem>> -> memref<1x128xi32, #tpu.memory_space<vmem>>
    %dma_wait3A_1313 = tpu.memref_squeeze %dma_wait3A_1312 : memref<1x128xi32, #tpu.memory_space<vmem>> -> memref<128xi32, #tpu.memory_space<vmem>>
    %dma_wait3A_1314 = arith.constant 0 : i32
    %dma_wait3A_1315 = tpu.memref_slice %arg3[%dma_wait3A_1314] : memref<1024000xf32, #tpu.memory_space<hbm>> -> memref<1024000xf32, #tpu.memory_space<hbm>>
    tpu.wait_indirect_dma semaphore(%arg8 : memref<!tpu.dma_semaphore, #tpu.memory_space<semaphore_mem>>) src(%dma_wait3A_1315 : memref<1024000xf32, #tpu.memory_space<hbm>>) dst(%dma_wait3A_1310 : memref<128xf32, #tpu.memory_space<vmem>>)
    %dma_wait3A_1316 = arith.constant 1 : i32
    %dma_wait3A_1317 = arith.constant 128 : i32
    %dma_wait3A_1318 = tpu.memref_slice %arg7[%dma_wait3A_1317] : memref<512xf32, #tpu.memory_space<vmem>> -> memref<128xf32, #tpu.memory_space<vmem>>
    %dma_wait3A_1319 = arith.constant 0 : i32
    %dma_wait3A_1320 = tpu.memref_slice %arg6[%dma_wait3A_1316, %dma_wait3A_1319] : memref<4x128xi32, #tpu.memory_space<vmem>> -> memref<1x128xi32, #tpu.memory_space<vmem>>
    %dma_wait3A_1321 = tpu.memref_squeeze %dma_wait3A_1320 : memref<1x128xi32, #tpu.memory_space<vmem>> -> memref<128xi32, #tpu.memory_space<vmem>>
    %dma_wait3A_1322 = arith.constant 0 : i32
    %dma_wait3A_1323 = tpu.memref_slice %arg3[%dma_wait3A_1322] : memref<1024000xf32, #tpu.memory_space<hbm>> -> memref<1024000xf32, #tpu.memory_space<hbm>>
    tpu.wait_indirect_dma semaphore(%arg8 : memref<!tpu.dma_semaphore, #tpu.memory_space<semaphore_mem>>) src(%dma_wait3A_1323 : memref<1024000xf32, #tpu.memory_space<hbm>>) dst(%dma_wait3A_1318 : memref<128xf32, #tpu.memory_space<vmem>>)
    %dma_wait3A_1324 = arith.constant 2 : i32
    %dma_wait3A_1325 = arith.constant 256 : i32
    %dma_wait3A_1326 = tpu.memref_slice %arg7[%dma_wait3A_1325] : memref<512xf32, #tpu.memory_space<vmem>> -> memref<128xf32, #tpu.memory_space<vmem>>
    %dma_wait3A_1327 = arith.constant 0 : i32
    %dma_wait3A_1328 = tpu.memref_slice %arg6[%dma_wait3A_1324, %dma_wait3A_1327] : memref<4x128xi32, #tpu.memory_space<vmem>> -> memref<1x128xi32, #tpu.memory_space<vmem>>
    %dma_wait3A_1329 = tpu.memref_squeeze %dma_wait3A_1328 : memref<1x128xi32, #tpu.memory_space<vmem>> -> memref<128xi32, #tpu.memory_space<vmem>>
    %dma_wait3A_1330 = arith.constant 0 : i32
    %dma_wait3A_1331 = tpu.memref_slice %arg3[%dma_wait3A_1330] : memref<1024000xf32, #tpu.memory_space<hbm>> -> memref<1024000xf32, #tpu.memory_space<hbm>>
    tpu.wait_indirect_dma semaphore(%arg8 : memref<!tpu.dma_semaphore, #tpu.memory_space<semaphore_mem>>) src(%dma_wait3A_1331 : memref<1024000xf32, #tpu.memory_space<hbm>>) dst(%dma_wait3A_1326 : memref<128xf32, #tpu.memory_space<vmem>>)
    %dma_wait3A_1332 = arith.constant 3 : i32
    %dma_wait3A_1333 = arith.constant 384 : i32
    %dma_wait3A_1334 = tpu.memref_slice %arg7[%dma_wait3A_1333] : memref<512xf32, #tpu.memory_space<vmem>> -> memref<128xf32, #tpu.memory_space<vmem>>
    %dma_wait3A_1335 = arith.constant 0 : i32
    %dma_wait3A_1336 = tpu.memref_slice %arg6[%dma_wait3A_1332, %dma_wait3A_1335] : memref<4x128xi32, #tpu.memory_space<vmem>> -> memref<1x128xi32, #tpu.memory_space<vmem>>
    %dma_wait3A_1337 = tpu.memref_squeeze %dma_wait3A_1336 : memref<1x128xi32, #tpu.memory_space<vmem>> -> memref<128xi32, #tpu.memory_space<vmem>>
    %dma_wait3A_1338 = arith.constant 0 : i32
    %dma_wait3A_1339 = tpu.memref_slice %arg3[%dma_wait3A_1338] : memref<1024000xf32, #tpu.memory_space<hbm>> -> memref<1024000xf32, #tpu.memory_space<hbm>>
    tpu.wait_indirect_dma semaphore(%arg8 : memref<!tpu.dma_semaphore, #tpu.memory_space<semaphore_mem>>) src(%dma_wait3A_1339 : memref<1024000xf32, #tpu.memory_space<hbm>>) dst(%dma_wait3A_1334 : memref<128xf32, #tpu.memory_space<vmem>>)
    "tpu.region"() ({
      %run_scoped3A = tpu.sem_alloc : memref<!tpu.dma_semaphore, #tpu.memory_space<semaphore_mem>>
      %dma_start3A_1340 = tpu.memref_slice %arg4[%mul3A_2] : memref<16384xf32, #tpu.memory_space<hbm>> -> memref<512xf32, #tpu.memory_space<hbm>>
      %dma_start3A_1341 = tpu.memref_slice %arg4[%mul3A_2] : memref<16384xf32, #tpu.memory_space<hbm>> -> memref<512xf32, #tpu.memory_space<hbm>>
      tpu.enqueue_dma source(%arg7 : memref<512xf32, #tpu.memory_space<vmem>>) target(%dma_start3A_1341 : memref<512xf32, #tpu.memory_space<hbm>>) target_semaphore(%run_scoped3A : memref<!tpu.dma_semaphore, #tpu.memory_space<semaphore_mem>>)
      %dma_wait3A_1342 = tpu.memref_slice %arg4[%mul3A_2] : memref<16384xf32, #tpu.memory_space<hbm>> -> memref<512xf32, #tpu.memory_space<hbm>>
      %dma_wait3A_1343 = tpu.memref_slice %arg4[%mul3A_2] : memref<16384xf32, #tpu.memory_space<hbm>> -> memref<512xf32, #tpu.memory_space<hbm>>
      tpu.wait_dma2 semaphore(%run_scoped3A : memref<!tpu.dma_semaphore, #tpu.memory_space<semaphore_mem>>) src(%arg7 : memref<512xf32, #tpu.memory_space<vmem>>) dst(%dma_wait3A_1343 : memref<512xf32, #tpu.memory_space<hbm>>)
      tpu.yield
    }) : () -> ()
    return
  }
}

</mosaic_0001>

<sc_bundles>
// kernel: kernel.3.cloned.1.call-start
scs
__scs_entry_jumppad:
0x0: {  	(pc) =	sbr.rel $0x88, $3  }
0x1: {  	(tag) =	ssettag $0x0;
	lr =	simm.s32 $0x1  }
0x2: {  	[smem:$0x3F9F] =	sst lr;
	_ =	strace $0xD0000000  }
0x3: {  	_ = 	snop  }
0x4: {  	_ = 	snop  }
0x5: {  	_ = 	snop  }
0x6: {  	_ = 	snop  }
0x7: {  	_ = 	snop  }
__scs_overlays_trampoline_lowered:
0x8: {  	[smem:$0x3FAE] =	sst s0  }
0x9: {  	[smem:$0x3FAF] =	sst s1  }
0xa: {  	[smem:$0x3FB0] =	sst s2  }
0xb: {  	[smem:$0x3FB1] =	sst s3  }
0xc: {  	[smem:$0x3FB2] =	sst s4  }
0xd: {  	[smem:$0x3FB3] =	sst s5  }
0xe: {  	[smem:$0x3FB4] =	sst s6  }
0xf: {  	[smem:$0x3FB5] =	sst s7  }
0x10: {  	[smem:$0x3FB6] =	sst s8  }
0x11: {  	[smem:$0x3FB7] =	sst s9;
	s0 =	simm.s32 @!p0 $0x0  }
0x12: {  	s1 =	sld [smem:$0x3F9D];
	s0 =	simm.s32 @p0 $0x1  }
0x13: {  	[smem:$0x3FB8] =	sst s0;
	s0 =	simm.s32 @!p1 $0x0  }
0x14: {  	s2 =	sld [smem:$0x3F9C];
	s0 =	simm.s32 @p1 $0x1  }
0x15: {  	[smem:$0x3FB9] =	sst s0;
	s0 =	simm.s32 @!p2 $0x0  }
0x16: {  	s3 =	sld [smem:$0x3FDB];
	s0 =	simm.s32 @p2 $0x1  }
0x17: {  	s4 =	simm.s32 $0x1BF5;
	[smem:$0x3FBB] =	sst s0  }
0x18: {  	s0 =	sld [smem:$0x3F9E];
	_ =	swait.ge [sflag:s4], $0x0  }
0x19: {  	s7 =	sld [smem:$0x3F9F]  }
0x1a: {  	s8 =	sadd.s32 $0xFFFFE003, lr  }
0x1b: {  	s9 =	sadd.s32 $0xFFFFFEF7, lr;
	s5 =	simm.s32 $0xFFFFFFFF;
	p2 =	slt.u32 s8, $0xFFFFF086  }
0x1c: {  	p1 =	slt.u32 s9, $0xF7A;
	s5 =	simm.s32 @!p2 $0x0  }
0x1d: {  	s5 =	simm.s32 @p1 $0x1;
	p0 =	seq.s32 s7, s2  }
0x1e: {  	s7 =	smul.u32 @!p0 $0xF7A, s2;
	p2 =	seq.s32 @!p0 s5, $0x0  }
0x1f: {  	s9 =	smul.u32 $0xF7A, s1;
	s8 =	simm.s32 @!p0 $0x1BF5;
	p2 =	por !p2, p0  }
0x20: {  	[sflag:s8] =	ssyncset.s32 @!p0 $0xFFFFF086;
	s6 =	sadd.s32 @!p0 s3, s7;
	s7 =	simm.s32 @!p0 $0x108  }
0x21: {  	s3 =	sadd.s32 s3, s9;
	s6 =	sadd.s32 @!p0 $0x88, s6;
	s7 =	simm.s32 @p2 $0x1082  }
0x22: {  	[simem:s7], [sflag:s8] =	dma.local @!p0 [hbm:s6], $0xF7A  }
0x23: {  	s9 =	sor.u32 $0xD0000000, s2;
	s6 =	simm.s32 $0x108;
	_ =	swait.ge @!p0 [sflag:s8], $0x0  }
0x24: {  	s3 =	sadd.s32 $0x88, s3;
	s6 =	simm.s32 @!p1 $0x1082;
	[sflag:s4] =	ssyncset.s32 $0xFFFFF086  }
0x25: {  	[simem:s6], [sflag:s4] =	dma.local [hbm:s3], $0xF7A  }
0x26: {  	[smem:$0x3F9F] =	sst s1;
	(tag) =	ssettag s2;
	_ =	strace s9  }
0x27: {  	s1 =	sld [smem:$0x3FAF]  }
0x28: {  	s2 =	sld [smem:$0x3FB0]  }
0x29: {  	s4 =	sld [smem:$0x3FB2]  }
0x2a: {  	p0 =	seq.s32 s5, $0x0;
	s5 =	sld [smem:$0x3FB3]  }
0x2b: {  	s6 =	sld [smem:$0x3FB4]  }
0x2c: {  	s7 =	sld [smem:$0x3FB5]  }
0x2d: {  	s3 =	simm.s32 $0x108;
	s8 =	sld [smem:$0x3FB6]  }
0x2e: {  	s3 =	simm.s32 @!p0 $0x1082;
	s9 =	sld [smem:$0x3FB7]  }
0x2f: {  	lr =	sadd.s32 s0, s3;
	s0 =	sld [smem:$0x3FAE]  }
0x30: {  	s3 =	sld [smem:$0x3FB1]  }
0x31: {  	[smem:$0x3FBA] =	sst s10  }
0x32: {  	s10 =	sld [smem:$0x3FB8];
	_ =	sdelay $0x3  }
0x33: {  	p0 =	seq.s32 s10, $0x1;
	s10 =	sld [smem:$0x3FBA];
	_ =	sdelay $0x3  }
0x34: {  	[smem:$0x3FBA] =	sst s10  }
0x35: {  	s10 =	sld [smem:$0x3FB9];
	_ =	sdelay $0x3  }
0x36: {  	p1 =	seq.s32 s10, $0x1;
	s10 =	sld [smem:$0x3FBA];
	_ =	sdelay $0x3  }
0x37: {  	[smem:$0x3FBA] =	sst s10  }
0x38: {  	s10 =	sld [smem:$0x3FBB]  }
0x39: {  	_ = 	snop;
	(pc) =	sbr.ind lr, $3  }
0x3a: {  	_ = 	snop  }
0x3b: {  	_ = 	snop  }
0x3c: {  	p2 =	seq.s32 s10, $0x1;
	s10 =	sld [smem:$0x3FBA]  }
0x3d: {  	_ =	shalt  }
0x3e: {  	_ =	shalt  }
0x3f: {  	_ =	shalt  }
0x40: {  	_ =	shalt  }
0x41: {  	_ =	shalt  }
0x42: {  	_ =	shalt  }
0x43: {  	_ =	shalt  }
0x44: {  	_ =	shalt  }
0x45: {  	_ =	shalt  }
0x46: {  	_ =	shalt  }
0x47: {  	_ =	shalt  }
0x48: {  	_ =	shalt  }
0x49: {  	_ =	shalt  }
0x4a: {  	_ =	shalt  }
0x4b: {  	_ =	shalt  }
0x4c: {  	_ =	shalt  }
0x4d: {  	_ =	shalt  }
0x4e: {  	_ =	shalt  }
0x4f: {  	_ =	shalt  }
0x50: {  	_ =	shalt  }
0x51: {  	_ =	shalt  }
0x52: {  	_ =	shalt  }
0x53: {  	_ =	shalt  }
0x54: {  	_ =	shalt  }
0x55: {  	_ =	shalt  }
0x56: {  	_ =	shalt  }
0x57: {  	_ =	shalt  }
0x58: {  	_ =	shalt  }
0x59: {  	_ =	shalt  }
0x5a: {  	_ =	shalt  }
0x5b: {  	_ =	shalt  }
0x5c: {  	_ =	shalt  }
0x5d: {  	_ =	shalt  }
0x5e: {  	_ =	shalt  }
0x5f: {  	_ =	shalt  }
0x60: {  	_ =	shalt  }
0x61: {  	_ =	shalt  }
0x62: {  	_ =	shalt  }
0x63: {  	_ =	shalt  }
0x64: {  	_ =	shalt  }
0x65: {  	_ =	shalt  }
0x66: {  	_ =	shalt  }
0x67: {  	_ =	shalt  }
0x68: {  	_ =	shalt  }
0x69: {  	_ =	shalt  }
0x6a: {  	_ =	shalt  }
0x6b: {  	_ =	shalt  }
0x6c: {  	_ =	shalt  }
0x6d: {  	_ =	shalt  }
0x6e: {  	_ =	shalt  }
0x6f: {  	_ =	shalt  }
0x70: {  	_ =	shalt  }
0x71: {  	_ =	shalt  }
0x72: {  	_ =	shalt  }
0x73: {  	_ =	shalt  }
0x74: {  	_ =	shalt  }
0x75: {  	_ =	shalt  }
0x76: {  	_ =	shalt  }
0x77: {  	_ =	shalt  }
0x78: {  	_ =	shalt  }
0x79: {  	_ =	shalt  }
0x7a: {  	_ =	shalt  }
0x7b: {  	_ =	shalt  }
0x7c: {  	_ =	shalt  }
0x7d: {  	_ =	shalt  }
0x7e: {  	_ =	shalt  }
0x7f: {  	_ =	shalt  }
0x80: {  	_ =	shalt  }
0x81: {  	_ =	shalt  }
0x82: {  	_ =	shalt  }
0x83: {  	_ =	shalt  }
0x84: {  	_ =	shalt  }
0x85: {  	_ =	shalt  }
0x86: {  	_ =	shalt  }
0x87: {  	_ =	shalt  }
.Lfunc_end0:
.L_simem_size_0:
called_computation_lowered:
.L_overlay_start_0:
0x88: {  	s2 =	sld [smem:$0x3FD9]  }
0x89: {  	s3 =	sld [smem:$0x3FFE];
	_ =	sdelay $0x1  }
0x8a: {  	s1 =	srdreg.scid  }
0x8b: {  	s0 =	sand.u32 $0x1, s1  }
0x8c: {  	s17 =	sshll.u32 s0, $0xA;
	s2 =	sadd.s32 s3, s2  }
0x8d: {  	s2 =	sadd.s32 s2, s17  }
0x8e: {  	[smem:$0x3FC6] =	sst s2  }
0x8f: {  	_ = 	snop  }
0x90: {  	s2 =	sld [smem:$0x3FC9]  }
0x91: {  	s18 =	sld [smem:$0x3FD0];
	(tm) =	ssettm $0x1  }
0x92: {  	s4 =	sld [smem:$0x3FFB];
	_ =	sdelay $0x3  }
0x93: {  	_ =	strace s4  }
0x94: {  	s4 =	sld [smem:$0x3FFC];
	_ =	sdelay $0x3  }
0x95: {  	_ =	strace s4  }
0x96: {  	s4 =	sld [smem:$0x3FFD];
	_ =	sdelay $0x3  }
0x97: {  	_ =	strace s4  }
0x98: {  	_ =	strace $0x8FFFFFFF  }
0x99: {  	s19 =	sld [smem:$0x3FDB];
	_ =	sdelay $0x1  }
0x9a: {  	s5 =	simm.s32 $_scs_section_size  }
0x9b: {  	s6 =	simm.s32 $_size__tile_overlayer_lowered;
	s7 =	simm.s32 $_tile_overlayer_lowered  }
0x9c: {  	s22 =	simm.s32 $0x1BFF;
	s21 =	sshll.u32 s7, $0x1;
	s4 =	sadd.s32 s5, s19  }
0x9d: {  	s8 =	simm.s32 $0x0;
	s20 =	sshll.u32 s6, $0x1;
	s6 =	sadd.s32 s21, s4  }
0x9e: {  	[timem:s8], [sflag:s22] =	dma.local [hbm:s6], s20  }
0x9f: {  	_ =	swait.ge [sflag:s22], s20  }
0xa0: {  	s5 =	ssub.s32 $0x0, s20;
	[sflag:s22] =	ssyncset.done $0x0  }
0xa1: {  	[sflag:s22] =	ssyncadd.s32 s5;
	_ =	sdelay $0x1  }
0xa2: {  	s23 =	simm.s32 $0x1B8B  }
0xa3: {  	_ =	swait.ge [sflag:s23], $0x1  }
0xa4: {  	[sflag:s23] =	ssyncset.done $0x0  }
0xa5: {  	s25 =	simm.s32 $0x1B8E;
	s24 =	sld [smem:$0x3FFE];
	[sflag:s23] =	ssyncadd.s32 $0xFFFFFFFF  }
0xa6: {  	s26 =	simm.s32 $execute0_lowered;
	[smem:$0x3FD2] =	sst s25  }
0xa7: {  	s6 =	sshll.u32 s26, $0x1;
	_ =	strace $0x80000046;
	[dreg:$0x1] =	wrdreg $0xFFFFFFFF  }
0xa8: {  	s28 =	simm.s32 $_size_execute0_lowered;
	s4 =	sadd.s32 s4, s6;
	[dreg:$0x0] =	wrdreg $0x0  }
0xa9: {  	s6 =	sshll.u32 s28, $0x1;
	[dreg:$0x2] =	wrdreg s4  }
0xaa: {  	[dreg:$0x3] =	wrdreg s6  }
0xab: {  	[dreg:$0x4] =	wrdreg $0xC0  }
0xac: {  	_ =	task [dreg:s8], $0x5FFFF  }
0xad: {  	[dreg:$0x1] =	wrdreg $0xFFFFFFFF  }
0xae: {  	[dreg:$0x0] =	wrdreg $0x60  }
0xaf: {  	[dreg:$0x2] =	wrdreg s2  }
0xb0: {  	[dreg:$0x3] =	wrdreg s24  }
0xb1: {  	[dreg:$0x4] =	wrdreg s18  }
0xb2: {  	[dreg:$0x5] =	wrdreg $0x9  }
0xb3: {  	_ =	task.clear_ibuf [dreg:s8], $0x6FFFF;
	_ =	strace $0x90000046  }
0xb4: {  	s29 =	simm.s32 $0x9;
	_ =	strace $0x80000048  }
0xb5: {  	_ =	swait.ge [sflag:s29], $0x1  }
0xb6: {  	[sflag:s29] =	ssyncadd.s32 $0xFFFFFFFF  }
0xb7: {  	_ =	strace $0x90000048  }
0xb8: {  	_ =	sfence  }
0xb9: {  	s30 =	sld [smem:$0x0];
	_ =	sdelay $0x2  }
0xba: {  	s31 =	sshll.u32 s1, $0xD;
	s1 =	sshrl.u32 s1, $0x2  }
0xbb: {  	s3 =	sand.u32 $0x4000, s31;
	s1 =	sadd.s32 s1, s30  }
0xbc: {  	s0 =	sor.u32 s3, s0;
	s1 =	sshll.u32 s1, $0x11  }
0xbd: {  	s0 =	sor.u32 s1, s0  }
0xbe: {  	s0 =	sadd.s32 $0x8F2B, s0  }
0xbf: {  	[sflag:s0] =	ssyncadd.remote.s32 $0x1  }
0xc0: {  	_ =	sfence.sel $0xFFFF  }
0xc1: {  	[dreg:$0x0] =	wrdreg $0xFFFFFFFF;
	(pc) =	sbr.abs _section_cstart, $3  }
0xc2: {  	[dreg:$0x1] =	wrdreg $0xFFFFFFFF  }
0xc3: {  	_ =	task.clear_ibuf [dreg:s8], $0x2FFFF;
	_ =	strace $0x9FFFFFFF  }
0xc4: {  	(tm) =	ssettm $0x7FFFFFFF  }
0xc5: {  	_ =	shalt  }
tec
execute0_lowered:
.L_overlay_start_1:
0x0: {  	(tag) =	ssettag $0x1  }
0x1: {  	s4 =	rddreg [dreg:$0x0]  }
0x2: {  	s3 =	rddreg [dreg:$0x1]  }
0x3: {  	s5 =	rddreg [dreg:$0x2]  }
0x4: {  	s0 =	rddreg [dreg:$0x3];
	s2 =	simm.s32 $0x0;
	s6 =	srdreg.scid  }
0x5: {  	s1 =	stileid.u32;
	s10 =	simm.s32 $0x600;
	s11 =	simm.s32 $0x480  }
0x6: {  	s12 =	simm.s32 $0x680;
	s13 =	simm.s32 $0x500;
	s14 =	simm.s32 $0x700  }
0x7: {  	s15 =	simm.s32 $0x580;
	s16 =	simm.s32 $0x780;
	s17 =	simm.s32 $0x1  }
0x8: {  	[smem:$0x7FF] =	sst s2;
	s6 =	sand.u32 $0x1, s6;
	s7 =	sshll.u32 s1, $0xA  }
0x9: {  	s3 =	sadd.s32 $0x400, s3;
	s8 =	sshll.u32 s6, $0x9;
	s6 =	ssub.s32 $0x2, s6  }
0xa: {  	_ =	strace $0x80000047;
	s7 =	sor.u32 s8, s7;
	s31 =	sshrl.u32 s6, $0x1  }
0xb: {  	s8 =	simm.s32 $0x80;
	s9 =	sshrl.u32 s7, $0x2;
	s7 =	sshrl.u32 s7, $0x3  }
0xc: {  	s6 =	ssub.s32 s6, s31;
	s4 =	sadd.s32 s4, s9;
	s5 =	sadd.s32 s5, s7  }
0xd: {  	s6 =	smax.u32 s6, $0x1;
	s7 =	simm.s32 $0x2;
	s9 =	simm.s32 $0x400  }
.LBB2_1:
0xe: {  	[tilespmem:s2], [sflag:$0x2] =	stream.linear.gather [hbm4b:s4+s2], $0x400, $0x38;
	[tilespmem:$0x800] =	vst v63  }
0xf: {  	_ =	swait.ge [sflag:s7], $0x400  }
0x10: {  	[sflag:s7] =	ssyncset.done $0x0  }
0x11: {  	[sflag:s7] =	ssyncadd.s32 $0xFFFFFC00  }
0x12: {  	v0 =	vld [tilespmem:$0x0]  }
0x13: {  	v1 =	vld [tilespmem:$0x80]  }
0x14: {  	v2 =	vld [tilespmem:$0x10]  }
0x15: {  	v3 =	vld [tilespmem:$0x90]  }
0x16: {  	v6 =	vld [tilespmem:$0x20]  }
0x17: {  	v7 =	vld [tilespmem:$0xA0]  }
0x18: {  	v8 =	vld [tilespmem:$0x30]  }
0x19: {  	v33 =	vld [tilespmem:$0xB0]  }
0x1a: {  	v10 =	vld [tilespmem:$0x40]  }
0x1b: {  	v35 =	vld [tilespmem:$0xC0]  }
0x1c: {  	v41 =	vld [tilespmem:$0x50]  }
0x1d: {  	v11 =	vld [tilespmem:$0xD0];
	v4 =	vshll.u32 v0, $0xA  }
0x1e: {  	v47 =	vld [tilespmem:$0x60];
	v5 =	vshll.u32 v1, $0x3;
	v0 =	vshll.u32 v0, $0x7;
	v31 =	vshll.u32 v2, $0xA  }
0x1f: {  	v49 =	vld [tilespmem:$0xE0];
	v32 =	vshll.u32 v3, $0x3;
	v2 =	vshll.u32 v2, $0x7;
	v1 =	vand.u32 $0x7F, v1  }
0x20: {  	v13 =	vld [tilespmem:$0x70];
	v34 =	vshll.u32 v6, $0xA;
	v9 =	vshll.u32 v7, $0x3;
	v6 =	vshll.u32 v6, $0x7  }
0x21: {  	v51 =	vld [tilespmem:$0xF0];
	v3 =	vand.u32 $0x7F, v3;
	v38 =	vand.u32 $0x7F, v7;
	v39 =	vshll.u32 v8, $0xA  }
0x22: {  	v40 =	vshll.u32 v33, $0x3;
	v8 =	vshll.u32 v8, $0x7;
	v44 =	vshll.u32 v10, $0xA  }
0x23: {  	v45 =	vshll.u32 v35, $0x3;
	v46 =	vshll.u32 v10, $0x7;
	v50 =	vshll.u32 v41, $0xA  }
0x24: {  	v12 =	vshll.u32 v11, $0x3;
	v7 =	vshll.u32 v41, $0x7;
	v53 =	vand.u32 $0x7F, v11  }
0x25: {  	v54 =	vshll.u32 v47, $0xA;
	v55 =	vshll.u32 v49, $0x3;
	v58 =	vshll.u32 v47, $0x7  }
0x26: {  	v61 =	vshll.u32 v13, $0xA;
	v62 =	vshll.u32 v51, $0x3;
	v10 =	vand.u32 $0x7F, v49  }
0x27: {  	v4 =	vand.u32 $0xFFFFE000, v4;
	v5 =	vand.u32 $0xFFFFFC00, v5;
	v0 =	vand.u32 $0x380, v0  }
0x28: {  	v2 =	vand.u32 $0x380, v2;
	v9 =	vand.u32 $0xFFFFFC00, v9;
	v6 =	vand.u32 $0x380, v6  }
0x29: {  	v43 =	vand.u32 $0x380, v8;
	v48 =	vand.u32 $0x380, v46;
	v12 =	vand.u32 $0xFFFFFC00, v12  }
0x2a: {  	v7 =	vand.u32 $0x380, v7;
	v56 =	vand.u32 $0xFFFFE000, v54;
	v57 =	vand.u32 $0xFFFFFC00, v55  }
0x2b: {  	v60 =	vand.u32 $0x380, v58;
	v63 =	vand.u32 $0xFFFFFC00, v62;
	v4 =	vadd.s32 v4, v5  }
0x2c: {  	v5 =	vand.u32 $0xFFFFFC00, v32;
	v0 =	vor.u32 v0, v4;
	v4 =	vand.u32 $0xFFFFE000, v31  }
0x2d: {  	v4 =	vadd.s32 v4, v5;
	v0 =	vor.u32 v1, v0;
	v5 =	vand.u32 $0x7F, v33  }
0x2e: {  	v2 =	vor.u32 v2, v4;
	v4 =	vand.u32 $0xFFFFE000, v34;
	[tilespmem:$0x400] =	vst v0;
	v0 =	vadd.s32 v56, v57  }
0x2f: {  	v4 =	vadd.s32 v4, v9;
	v36 =	vor.u32 v3, v2;
	v9 =	vand.u32 $0x7F, v35  }
0x30: {  	v0 =	vor.u32 v60, v0;
	v37 =	vor.u32 v6, v4;
	v4 =	vand.u32 $0xFFFFE000, v39  }
0x31: {  	v6 =	vand.u32 $0xFFFFFC00, v40;
	v0 =	vor.u32 v10, v0;
	v2 =	vor.u32 v38, v37  }
0x32: {  	v42 =	vadd.s32 v4, v6;
	v4 =	vand.u32 $0xFFFFE000, v44;
	v6 =	vand.u32 $0xFFFFFC00, v45  }
0x33: {  	[tilespmem:$0x410] =	vst v36;
	v3 =	vor.u32 v43, v42;
	v4 =	vadd.s32 v4, v6;
	v6 =	vand.u32 $0xFFFFE000, v50  }
0x34: {  	[tilespmem:$0x420] =	vst v2;
	v2 =	vand.u32 $0xFFFFE000, v61;
	v4 =	vor.u32 v48, v4;
	v6 =	vadd.s32 v6, v12  }
0x35: {  	[tilespmem:$0x460] =	vst v0;
	v3 =	vor.u32 v5, v3;
	v4 =	vor.u32 v9, v4;
	v9 =	vshll.u32 v13, $0x7  }
0x36: {  	v2 =	vadd.s32 v2, v63;
	v52 =	vor.u32 v7, v6;
	[tilespmem:$0x430] =	vst v3;
	v11 =	vand.u32 $0x380, v9  }
0x37: {  	v14 =	vand.u32 $0x7F, v51;
	v59 =	vor.u32 v53, v52;
	[tilespmem:$0x440] =	vst v4;
	v13 =	vor.u32 v11, v2  }
0x38: {  	[tilespmem:$0x450] =	vst v59;
	v15 =	vor.u32 v14, v13  }
0x39: {  	[tilespmem:$0x470] =	vst v15  }
0x3a: {  	[tilespmem:s10], [sflag:$0x1] =	stream.indirect.gather [hbm4b:s3+s8], $0x1, s9, s8, $0xb8;
	[tilespmem:$0x800] =	vst v63  }
0x3b: {  	v16 =	vld [tilespmem:$0x100]  }
0x3c: {  	v17 =	vld [tilespmem:$0x180]  }
0x3d: {  	v18 =	vld [tilespmem:$0x110]  }
0x3e: {  	v19 =	vld [tilespmem:$0x190]  }
0x3f: {  	v22 =	vld [tilespmem:$0x120]  }
0x40: {  	v23 =	vld [tilespmem:$0x1A0]  }
0x41: {  	v26 =	vld [tilespmem:$0x130]  }
0x42: {  	v27 =	vld [tilespmem:$0x1B0]  }
0x43: {  	v30 =	vld [tilespmem:$0x140]  }
0x44: {  	v31 =	vld [tilespmem:$0x1C0]  }
0x45: {  	v37 =	vld [tilespmem:$0x150]  }
0x46: {  	v38 =	vld [tilespmem:$0x1D0];
	v20 =	vshll.u32 v16, $0xA  }
0x47: {  	v44 =	vld [tilespmem:$0x160];
	v21 =	vshll.u32 v17, $0x3;
	v0 =	vshll.u32 v16, $0x7;
	v24 =	vshll.u32 v18, $0xA  }
0x48: {  	v46 =	vld [tilespmem:$0x1E0];
	v25 =	vshll.u32 v19, $0x3;
	v2 =	vshll.u32 v18, $0x7;
	v1 =	vand.u32 $0x7F, v17  }
0x49: {  	v49 =	vld [tilespmem:$0x170];
	v28 =	vshll.u32 v22, $0xA;
	v29 =	vshll.u32 v23, $0x3;
	v6 =	vshll.u32 v22, $0x7  }
0x4a: {  	v50 =	vld [tilespmem:$0x1F0];
	v3 =	vand.u32 $0x7F, v19;
	v34 =	vand.u32 $0x7F, v23;
	v35 =	vshll.u32 v26, $0xA  }
0x4b: {  	v36 =	vshll.u32 v27, $0x3;
	v8 =	vshll.u32 v26, $0x7;
	v41 =	vshll.u32 v30, $0xA  }
0x4c: {  	v42 =	vshll.u32 v31, $0x3;
	v43 =	vshll.u32 v30, $0x7;
	v47 =	vshll.u32 v37, $0xA  }
0x4d: {  	v48 =	vshll.u32 v38, $0x3;
	v7 =	vshll.u32 v37, $0x7;
	v52 =	vand.u32 $0x7F, v38  }
0x4e: {  	v53 =	vshll.u32 v44, $0xA;
	v54 =	vshll.u32 v46, $0x3;
	v57 =	vshll.u32 v44, $0x7  }
0x4f: {  	v60 =	vshll.u32 v49, $0xA;
	v61 =	vshll.u32 v50, $0x3;
	v63 =	vshll.u32 v49, $0x7  }
0x50: {  	v4 =	vand.u32 $0xFFFFE000, v20;
	v5 =	vand.u32 $0xFFFFFC00, v21;
	v0 =	vand.u32 $0x380, v0  }
0x51: {  	v2 =	vand.u32 $0x380, v2;
	v9 =	vand.u32 $0xFFFFFC00, v29;
	v6 =	vand.u32 $0x380, v6  }
0x52: {  	v40 =	vand.u32 $0x380, v8;
	v45 =	vand.u32 $0x380, v43;
	v12 =	vand.u32 $0xFFFFFC00, v48  }
0x53: {  	v7 =	vand.u32 $0x380, v7;
	v55 =	vand.u32 $0xFFFFE000, v53;
	v56 =	vand.u32 $0xFFFFFC00, v54  }
0x54: {  	v59 =	vand.u32 $0x380, v57;
	v62 =	vand.u32 $0xFFFFFC00, v61;
	v4 =	vadd.s32 v4, v5  }
0x55: {  	v5 =	vand.u32 $0xFFFFFC00, v25;
	v0 =	vor.u32 v0, v4;
	v4 =	vand.u32 $0xFFFFE000, v24  }
0x56: {  	v10 =	vand.u32 $0x380, v63;
	v4 =	vadd.s32 v4, v5;
	v0 =	vor.u32 v1, v0  }
0x57: {  	v5 =	vand.u32 $0x7F, v27;
	v2 =	vor.u32 v2, v4;
	v4 =	vand.u32 $0xFFFFE000, v28  }
0x58: {  	[tilespmem:$0x480] =	vst v0;
	v0 =	vadd.s32 v55, v56;
	v4 =	vadd.s32 v4, v9;
	v32 =	vor.u32 v3, v2  }
0x59: {  	v9 =	vand.u32 $0x7F, v31;
	v0 =	vor.u32 v59, v0;
	v33 =	vor.u32 v6, v4  }
0x5a: {  	v4 =	vand.u32 $0xFFFFE000, v35;
	v6 =	vand.u32 $0xFFFFFC00, v36;
	v2 =	vor.u32 v34, v33  }
0x5b: {  	v39 =	vadd.s32 v4, v6;
	v4 =	vand.u32 $0xFFFFE000, v41;
	v6 =	vand.u32 $0xFFFFFC00, v42  }
0x5c: {  	[tilespmem:$0x490] =	vst v32;
	v3 =	vor.u32 v40, v39;
	v4 =	vadd.s32 v4, v6;
	v6 =	vand.u32 $0xFFFFE000, v47  }
0x5d: {  	[tilespmem:$0x4A0] =	vst v2;
	v4 =	vor.u32 v45, v4;
	v6 =	vadd.s32 v6, v12;
	v3 =	vor.u32 v5, v3  }
0x5e: {  	v2 =	vand.u32 $0xFFFFE000, v60;
	v4 =	vor.u32 v9, v4;
	v51 =	vor.u32 v7, v6;
	[tilespmem:$0x4B0] =	vst v3  }
0x5f: {  	v2 =	vadd.s32 v2, v62;
	v9 =	vand.u32 $0x7F, v46;
	v58 =	vor.u32 v52, v51;
	[tilespmem:$0x4C0] =	vst v4  }
0x60: {  	v13 =	vand.u32 $0x7F, v50;
	v11 =	vor.u32 v10, v2;
	v0 =	vor.u32 v9, v0;
	[tilespmem:$0x4D0] =	vst v58  }
0x61: {  	v14 =	vor.u32 v13, v11;
	[tilespmem:$0x4E0] =	vst v0  }
0x62: {  	[tilespmem:$0x4F0] =	vst v14  }
0x63: {  	[tilespmem:s12], [sflag:$0x1] =	stream.indirect.gather [hbm4b:s3+s8], $0x1, s11, s8, $0xb8;
	[tilespmem:$0x800] =	vst v63  }
0x64: {  	v15 =	vld [tilespmem:$0x200]  }
0x65: {  	v16 =	vld [tilespmem:$0x280]  }
0x66: {  	v17 =	vld [tilespmem:$0x210]  }
0x67: {  	v18 =	vld [tilespmem:$0x290]  }
0x68: {  	v21 =	vld [tilespmem:$0x220]  }
0x69: {  	v22 =	vld [tilespmem:$0x2A0]  }
0x6a: {  	v25 =	vld [tilespmem:$0x230]  }
0x6b: {  	v26 =	vld [tilespmem:$0x2B0]  }
0x6c: {  	v29 =	vld [tilespmem:$0x240]  }
0x6d: {  	v30 =	vld [tilespmem:$0x2C0]  }
0x6e: {  	v36 =	vld [tilespmem:$0x250]  }
0x6f: {  	v37 =	vld [tilespmem:$0x2D0];
	v19 =	vshll.u32 v15, $0xA  }
0x70: {  	v43 =	vld [tilespmem:$0x260];
	v20 =	vshll.u32 v16, $0x3;
	v0 =	vshll.u32 v15, $0x7;
	v23 =	vshll.u32 v17, $0xA  }
0x71: {  	v45 =	vld [tilespmem:$0x2E0];
	v24 =	vshll.u32 v18, $0x3;
	v2 =	vshll.u32 v17, $0x7;
	v1 =	vand.u32 $0x7F, v16  }
0x72: {  	v48 =	vld [tilespmem:$0x270];
	v27 =	vshll.u32 v21, $0xA;
	v28 =	vshll.u32 v22, $0x3;
	v6 =	vshll.u32 v21, $0x7  }
0x73: {  	v49 =	vld [tilespmem:$0x2F0];
	v3 =	vand.u32 $0x7F, v18;
	v33 =	vand.u32 $0x7F, v22;
	v34 =	vshll.u32 v25, $0xA  }
0x74: {  	v35 =	vshll.u32 v26, $0x3;
	v8 =	vshll.u32 v25, $0x7;
	v40 =	vshll.u32 v29, $0xA  }
0x75: {  	v41 =	vshll.u32 v30, $0x3;
	v42 =	vshll.u32 v29, $0x7;
	v46 =	vshll.u32 v36, $0xA  }
0x76: {  	v47 =	vshll.u32 v37, $0x3;
	v7 =	vshll.u32 v36, $0x7;
	v51 =	vand.u32 $0x7F, v37  }
0x77: {  	v52 =	vshll.u32 v43, $0xA;
	v53 =	vshll.u32 v45, $0x3;
	v56 =	vshll.u32 v43, $0x7  }
0x78: {  	v59 =	vshll.u32 v48, $0xA;
	v60 =	vshll.u32 v49, $0x3;
	v62 =	vshll.u32 v48, $0x7  }
0x79: {  	v63 =	vand.u32 $0x7F, v45;
	v4 =	vand.u32 $0xFFFFE000, v19;
	v5 =	vand.u32 $0xFFFFFC00, v20  }
0x7a: {  	v0 =	vand.u32 $0x380, v0;
	v2 =	vand.u32 $0x380, v2;
	v9 =	vand.u32 $0xFFFFFC00, v28  }
0x7b: {  	v6 =	vand.u32 $0x380, v6;
	v39 =	vand.u32 $0x380, v8;
	v44 =	vand.u32 $0x380, v42  }
0x7c: {  	v12 =	vand.u32 $0xFFFFFC00, v47;
	v7 =	vand.u32 $0x380, v7;
	v54 =	vand.u32 $0xFFFFE000, v52  }
0x7d: {  	v55 =	vand.u32 $0xFFFFFC00, v53;
	v58 =	vand.u32 $0x380, v56;
	v4 =	vadd.s32 v4, v5  }
0x7e: {  	v5 =	vand.u32 $0xFFFFFC00, v24;
	v0 =	vor.u32 v0, v4;
	v4 =	vand.u32 $0xFFFFE000, v23  }
0x7f: {  	v61 =	vand.u32 $0xFFFFFC00, v60;
	v4 =	vadd.s32 v4, v5;
	v0 =	vor.u32 v1, v0  }
0x80: {  	v5 =	vand.u32 $0x7F, v26;
	v2 =	vor.u32 v2, v4;
	v4 =	vand.u32 $0xFFFFE000, v27  }
0x81: {  	[tilespmem:$0x500] =	vst v0;
	v0 =	vadd.s32 v54, v55;
	v4 =	vadd.s32 v4, v9;
	v31 =	vor.u32 v3, v2  }
0x82: {  	v9 =	vand.u32 $0x7F, v30;
	v0 =	vor.u32 v58, v0;
	v32 =	vor.u32 v6, v4  }
0x83: {  	v4 =	vand.u32 $0xFFFFE000, v34;
	v6 =	vand.u32 $0xFFFFFC00, v35;
	v0 =	vor.u32 v63, v0  }
0x84: {  	v38 =	vadd.s32 v4, v6;
	v4 =	vand.u32 $0xFFFFE000, v40;
	v6 =	vand.u32 $0xFFFFFC00, v41  }
0x85: {  	[tilespmem:$0x510] =	vst v31;
	v2 =	vor.u32 v33, v32;
	v3 =	vor.u32 v39, v38;
	v4 =	vadd.s32 v4, v6  }
0x86: {  	v6 =	vand.u32 $0xFFFFE000, v46;
	[tilespmem:$0x520] =	vst v2;
	v2 =	vand.u32 $0xFFFFE000, v59;
	v4 =	vor.u32 v44, v4  }
0x87: {  	[tilespmem:$0x560] =	vst v0;
	v6 =	vadd.s32 v6, v12;
	v3 =	vor.u32 v5, v3;
	v2 =	vadd.s32 v2, v61  }
0x88: {  	v4 =	vor.u32 v9, v4;
	v50 =	vor.u32 v7, v6;
	[tilespmem:$0x530] =	vst v3;
	v7 =	vand.u32 $0x380, v62  }
0x89: {  	v9 =	vand.u32 $0x7F, v49;
	v57 =	vor.u32 v51, v50;
	[tilespmem:$0x540] =	vst v4;
	v8 =	vor.u32 v7, v2  }
0x8a: {  	[tilespmem:$0x550] =	vst v57;
	v10 =	vor.u32 v9, v8  }
0x8b: {  	[tilespmem:$0x570] =	vst v10  }
0x8c: {  	[tilespmem:s14], [sflag:$0x1] =	stream.indirect.gather [hbm4b:s3+s8], $0x1, s13, s8, $0xb8;
	[tilespmem:$0x800] =	vst v63  }
0x8d: {  	v11 =	vld [tilespmem:$0x300]  }
0x8e: {  	v12 =	vld [tilespmem:$0x380]  }
0x8f: {  	v13 =	vld [tilespmem:$0x310]  }
0x90: {  	v14 =	vld [tilespmem:$0x390]  }
0x91: {  	v17 =	vld [tilespmem:$0x320]  }
0x92: {  	v18 =	vld [tilespmem:$0x3A0]  }
0x93: {  	v21 =	vld [tilespmem:$0x330]  }
0x94: {  	v22 =	vld [tilespmem:$0x3B0]  }
0x95: {  	v25 =	vld [tilespmem:$0x340]  }
0x96: {  	v26 =	vld [tilespmem:$0x3C0]  }
0x97: {  	v32 =	vld [tilespmem:$0x350]  }
0x98: {  	v33 =	vld [tilespmem:$0x3D0];
	v15 =	vshll.u32 v11, $0xA  }
0x99: {  	v39 =	vld [tilespmem:$0x360];
	v16 =	vshll.u32 v12, $0x3;
	v0 =	vshll.u32 v11, $0x7;
	v19 =	vshll.u32 v13, $0xA  }
0x9a: {  	v41 =	vld [tilespmem:$0x3E0];
	v20 =	vshll.u32 v14, $0x3;
	v2 =	vshll.u32 v13, $0x7;
	v1 =	vand.u32 $0x7F, v12  }
0x9b: {  	v44 =	vld [tilespmem:$0x370];
	v23 =	vshll.u32 v17, $0xA;
	v24 =	vshll.u32 v18, $0x3;
	v6 =	vshll.u32 v17, $0x7  }
0x9c: {  	v45 =	vld [tilespmem:$0x3F0];
	v3 =	vand.u32 $0x7F, v14;
	v29 =	vand.u32 $0x7F, v18;
	v30 =	vshll.u32 v21, $0xA  }
0x9d: {  	v31 =	vshll.u32 v22, $0x3;
	v8 =	vshll.u32 v21, $0x7;
	v36 =	vshll.u32 v25, $0xA  }
0x9e: {  	v37 =	vshll.u32 v26, $0x3;
	v38 =	vshll.u32 v25, $0x7;
	v42 =	vshll.u32 v32, $0xA  }
0x9f: {  	v43 =	vshll.u32 v33, $0x3;
	v7 =	vshll.u32 v32, $0x7;
	v47 =	vand.u32 $0x7F, v33  }
0xa0: {  	v48 =	vshll.u32 v39, $0xA;
	v49 =	vshll.u32 v41, $0x3;
	v52 =	vshll.u32 v39, $0x7  }
0xa1: {  	v55 =	vshll.u32 v44, $0xA;
	v56 =	vshll.u32 v45, $0x3;
	v58 =	vshll.u32 v44, $0x7  }
0xa2: {  	v59 =	vand.u32 $0x7F, v41;
	v4 =	vand.u32 $0xFFFFE000, v15;
	v5 =	vand.u32 $0xFFFFFC00, v16  }
0xa3: {  	v0 =	vand.u32 $0x380, v0;
	v2 =	vand.u32 $0x380, v2;
	v9 =	vand.u32 $0xFFFFFC00, v24  }
0xa4: {  	v6 =	vand.u32 $0x380, v6;
	v35 =	vand.u32 $0x380, v8;
	v40 =	vand.u32 $0x380, v38  }
0xa5: {  	v12 =	vand.u32 $0xFFFFFC00, v43;
	v7 =	vand.u32 $0x380, v7;
	v50 =	vand.u32 $0xFFFFE000, v48  }
0xa6: {  	v51 =	vand.u32 $0xFFFFFC00, v49;
	v54 =	vand.u32 $0x380, v52;
	v4 =	vadd.s32 v4, v5  }
0xa7: {  	v5 =	vand.u32 $0xFFFFFC00, v20;
	v0 =	vor.u32 v0, v4;
	v4 =	vand.u32 $0xFFFFE000, v19  }
0xa8: {  	v57 =	vand.u32 $0xFFFFFC00, v56;
	v60 =	vand.u32 $0x380, v58;
	v4 =	vadd.s32 v4, v5  }
0xa9: {  	v0 =	vor.u32 v1, v0;
	v2 =	vor.u32 v2, v4;
	v4 =	vand.u32 $0xFFFFE000, v23  }
0xaa: {  	v5 =	vand.u32 $0x7F, v22;
	[tilespmem:$0x580] =	vst v0;
	v0 =	vadd.s32 v50, v51;
	v4 =	vadd.s32 v4, v9  }
0xab: {  	v27 =	vor.u32 v3, v2;
	v9 =	vand.u32 $0x7F, v26;
	v0 =	vor.u32 v54, v0  }
0xac: {  	v28 =	vor.u32 v6, v4;
	v4 =	vand.u32 $0xFFFFE000, v30;
	v6 =	vand.u32 $0xFFFFFC00, v31  }
0xad: {  	v0 =	vor.u32 v59, v0;
	v2 =	vor.u32 v29, v28;
	v34 =	vadd.s32 v4, v6  }
0xae: {  	[tilespmem:$0x590] =	vst v27;
	v4 =	vand.u32 $0xFFFFE000, v36;
	v6 =	vand.u32 $0xFFFFFC00, v37;
	v3 =	vor.u32 v35, v34  }
0xaf: {  	v4 =	vadd.s32 v4, v6;
	v6 =	vand.u32 $0xFFFFE000, v42;
	[tilespmem:$0x5A0] =	vst v2;
	v2 =	vand.u32 $0xFFFFE000, v55  }
0xb0: {  	[tilespmem:$0x5E0] =	vst v0;
	v4 =	vor.u32 v40, v4;
	v6 =	vadd.s32 v6, v12;
	v3 =	vor.u32 v5, v3  }
0xb1: {  	v2 =	vadd.s32 v2, v57;
	v4 =	vor.u32 v9, v4;
	v46 =	vor.u32 v7, v6;
	[tilespmem:$0x5B0] =	vst v3  }
0xb2: {  	v62 =	vand.u32 $0x7F, v45;
	v61 =	vor.u32 v60, v2;
	v53 =	vor.u32 v47, v46;
	[tilespmem:$0x5C0] =	vst v4  }
0xb3: {  	v63 =	vor.u32 v62, v61;
	[tilespmem:$0x5D0] =	vst v53  }
0xb4: {  	[tilespmem:$0x5F0] =	vst v63  }
0xb5: {  	[tilespmem:s16], [sflag:$0x1] =	stream.indirect.gather [hbm4b:s3+s8], $0x1, s15, s8, $0xb8;
	[tilespmem:$0x800] =	vst v63  }
0xb6: {  	_ =	swait.ge [sflag:s17], $0x80  }
0xb7: {  	[sflag:s17] =	ssyncset.done $0x0  }
0xb8: {  	[sflag:s17] =	ssyncadd.s32 $0xFFFFFF80  }
0xb9: {  	_ =	swait.ge [sflag:s17], $0x80  }
0xba: {  	[sflag:s17] =	ssyncset.done $0x0  }
0xbb: {  	[sflag:s17] =	ssyncadd.s32 $0xFFFFFF80  }
0xbc: {  	_ =	swait.ge [sflag:s17], $0x80  }
0xbd: {  	[sflag:s17] =	ssyncset.done $0x0  }
0xbe: {  	[sflag:s17] =	ssyncadd.s32 $0xFFFFFF80  }
0xbf: {  	_ =	swait.ge [sflag:s17], $0x80  }
0xc0: {  	p0 =	sne.s32 s6, $0x1;
	[sflag:s17] =	ssyncset.done $0x0  }
.Ltmp0:
0xc1: {  	[sflag:s17] =	ssyncadd.s32 $0xFFFFFF80;
	(pc) =	sbr.rel @p0 .LBB2_1-.Ltmp0, $4  }
0xc2: {  	[hbm4b:s5+s2] =	stream.linear.scatter [tilespmem:s10], [sflag:$0x2], $0x200, $0x38;
	[tilespmem:$0x800] =	vst v63  }
0xc3: {  	_ =	swait.ge [sflag:s7], $0x200  }
0xc4: {  	[sflag:s7] =	ssyncset.done $0x0  }
0xc5: {  	s6 =	sadd.s32 $0xFFFFFFFF, s6;
	[sflag:s7] =	ssyncadd.s32 $0xFFFFFE00  }
0xc6: {  	_ =	sfence.sel $0x180000  }
0xc7: {  	[bflag:$0x0] =	sbarrier.arrive $0xFFFF  }
0xc8: {  	p0 =	sne.s32 s1, $0x0;
	_ =	strace $0x90000047  }
0xc9: {  	s0 =	sadd.s32 @!p0 $0x100000, s0;
	[bflag:$0x2] =	sbarrier.arrive $0xFFFF  }
0xca: {  	[sflag:s0] =	ssyncadd.tile.s32 @!p0 $0x1;
	_ =	shalt  }
.Lfunc_end2:
_tile_overlayer_lowered:
.L_overlay_start_2:
0xcb: {  	(tag) =	ssettag $0x2  }
0xcc: {  	s0 =	rddreg [dreg:$0x0];
	s2 =	stileid.u32  }
0xcd: {  	s1 =	rddreg [dreg:$0x1];
	p0 =	sne.s32 s2, $0x0  }
0xce: {  	s3 =	rddreg [dreg:$0x2];
	[bflag:$0x3] =	sbarrier.arrive $0xFFFF;
	s2 =	simm.s32 @!p0 $0x1C02  }
0xcf: {  	[timem:s3], [sflag:s2] =	dma.local @!p0 [hbm:s0], s1  }
0xd0: {  	s0 =	simm.s32 @!p0 $0x2  }
0xd1: {  	_ =	swait.ge @!p0 [sflag:s0], s1  }
0xd2: {  	s1 =	ssub.s32 @!p0 $0x0, s1;
	[sflag:s0] =	ssyncset.done @!p0 $0x0  }
0xd3: {  	[sflag:s0] =	ssyncadd.s32 @!p0 s1  }
0xd4: {  	[bflag:$0x3] =	sbarrier.arrive $0xFFFF  }
0xd5: {  	_ =	shalt  }

</sc_bundles>
